<compile_context>
chip_gen: v7x
topology: tpu7x:2x2x1
jax: 0.10.2.dev20260603
libtpu: 0.0.44.dev20260713+nightly
codegen_flags: <defaults>
</compile_context>

<pallas_src>
import functools

import jax
import jax.numpy as jnp
from jax import lax
from jax.experimental import pallas as pl
from jax.experimental.pallas import tpu as pltpu
from jax.experimental.pallas import tpu_sc as plsc

NUM_WORKERS = 32


def kernel(x, tables):
    b, n_fields = x.shape
    _, cardp1, d = tables.shape
    assert n_fields == 26 and d == 32

    cb = 8
    bpw = b // NUM_WORKERS
    n_chunks = bpw // cb

    mesh = plsc.VectorSubcoreMesh(core_axis_name="c", subcore_axis_name="s")

    @functools.partial(
        pl.kernel,
        mesh=mesh,
        out_type=jax.ShapeDtypeStruct((b, n_fields, d), jnp.float32),
        scratch_types=[
            pltpu.VMEM((2, cb, n_fields), jnp.int32),
            pltpu.VMEM((2, cb, n_fields, d), jnp.float32),
            pltpu.SemaphoreType.DMA,
            pltpu.SemaphoreType.DMA,
            pltpu.SemaphoreType.DMA,
        ],
    )
    def emb_kernel(x_hbm, tab_hbm, out_hbm, xv, rows, sem_g, sem_x, sem_o):
        wid = lax.axis_index("s") * 2 + lax.axis_index("c")
        wb = wid * bpw

        pltpu.async_copy(x_hbm.at[pl.ds(wb, cb)], xv.at[0], sem_x)

        def chunk_body(c, carry):
            buf = c % 2
            b0 = wb + c * cb
            pltpu.make_async_copy(
                x_hbm.at[pl.ds(b0, cb)], xv.at[buf], sem_x
            ).wait()

            @pl.when(c >= 2)
            def _():
                pltpu.make_async_copy(
                    rows.at[buf],
                    out_hbm.at[pl.ds(b0 - 2 * cb, cb)],
                    sem_o,
                ).wait()

            def fire_body(kb, carry2):
                va = xv[buf, kb, pl.ds(0, 16)]
                vb = xv[buf, kb, pl.ds(n_fields - 16, 16)]
                for f in range(n_fields):
                    r = va[f] if f < 16 else vb[f - (n_fields - 16)]
                    pltpu.async_copy(
                        tab_hbm.at[f, r],
                        rows.at[buf, kb, f],
                        sem_g,
                    )
                return carry2

            lax.fori_loop(0, cb, fire_body, 0)

            @pl.when(c + 1 < n_chunks)
            def _():
                pltpu.async_copy(
                    x_hbm.at[pl.ds(b0 + cb, cb)], xv.at[1 - buf], sem_x
                )

            def drain_body(kb, carry2):
                for f in range(n_fields):
                    pltpu.make_async_copy(
                        tab_hbm.at[0, 0],
                        rows.at[buf, kb, f],
                        sem_g,
                    ).wait()
                return carry2

            lax.fori_loop(0, cb, drain_body, 0)

            pltpu.async_copy(rows.at[buf], out_hbm.at[pl.ds(b0, cb)], sem_o)
            return carry

        lax.fori_loop(0, n_chunks, chunk_body, 0)

        for t in (2, 1):
            pltpu.make_async_copy(
                rows.at[(n_chunks - t) % 2],
                out_hbm.at[pl.ds(wb + (n_chunks - t) * cb, cb)],
                sem_o,
            ).wait()

    return emb_kernel(x, tables)

# --- scband reference (transcript-rebuilt; emitter-appended) ---
"""Pipeline reference for scband-categorical-embeddings1d-42511586296125 (READ-ONLY COPY).

The authoritative reference and input builder live on the scoring server;
editing this copy changes nothing except your own understanding.
"""

import jax, jax.numpy as jnp
import numpy as np

N_FIELDS = 26
CARD = 100000
D = 32
B = 16384


def setup_inputs(seed: int = 0) -> dict:
    key = jax.random.key(seed)
    kx, kt = jax.random.split(key)
    x = jax.random.randint(kx, (B, N_FIELDS), 0, CARD, dtype=jnp.int32)
    bound = D ** (-0.5)
    # One table per categorical field, each of shape (cardinality + 1, d_embedding),
    # initialized uniform(-d^-0.5, d^-0.5) as in reset_parameters. All fields share
    # the same cardinality here, so we stack them into a single [N_FIELDS, CARD+1, D] array.
    tables = jax.random.uniform(kt, (N_FIELDS, CARD + 1, D), minval=-bound, maxval=bound, dtype=jnp.float32)
    return {"x": x, "tables": tables}


def reference(x, tables):
    # (*, n_cat) -> (*, n_cat, d): per-field embedding lookup then stack on dim=-2
    outs = [jnp.take(tables[i], x[..., i], axis=0) for i in range(N_FIELDS)]
    return jnp.stack(outs, axis=-2)

if __name__ == "__main__":
    import jax
    _d = setup_inputs()
    print(jax.jit(kernel)(*tuple(_d.values())))

</pallas_src>

<mosaic_0001>
#map = affine_map<(d0, d1) -> (0, 0)>
#map1 = affine_map<(d0, d1) -> (0, 0, 0)>
module attributes {stable_mosaic.version = 14 : i64} {
  func.func @emb_kernel(%arg0: i32, %arg1: i32, %arg2: memref<16384x26xi32, #tpu.memory_space<hbm>>, %arg3: memref<26x100001x32xf32, #tpu.memory_space<hbm>>, %arg4: memref<16384x26x32xf32, #tpu.memory_space<hbm>>, %arg5: memref<2x8x26xi32, #tpu.memory_space<vmem>>, %arg6: memref<2x8x26x32xf32, #tpu.memory_space<vmem>>, %arg7: memref<!tpu.dma_semaphore, #tpu.memory_space<semaphore_mem>>, %arg8: memref<!tpu.dma_semaphore, #tpu.memory_space<semaphore_mem>>, %arg9: memref<!tpu.dma_semaphore, #tpu.memory_space<semaphore_mem>>) attributes {dimension_semantics = [#tpu.dimension_semantics<core_parallel>, #tpu.dimension_semantics<subcore_parallel>], iteration_bounds = array<i64: 2, 16>, scalar_prefetch = 0 : i64, scratch_operands = 5 : i64, tpu.core_type = #tpu.core_type<sc_vector_subcore>, window_params = [{transform_indices = #map}, {transform_indices = #map1}, {transform_indices = #map1}]} {
    %mul3A = arith.constant 2 : i32
    %mul3A_0 = arith.muli %arg1, %mul3A : i32
    %add3A = arith.addi %mul3A_0, %arg0 : i32
    %mul3A_1 = arith.constant 512 : i32
    %mul3A_2 = arith.muli %add3A, %mul3A_1 : i32
    %dma_start3A = arith.constant 0 : i32
    %dma_start3A_3 = arith.constant 0 : i32
    %dma_start3A_4 = arith.constant 0 : i32
    %dma_start3A_5 = tpu.memref_slice %arg5[%dma_start3A, %dma_start3A_3, %dma_start3A_4] : memref<2x8x26xi32, #tpu.memory_space<vmem>> -> memref<1x8x26xi32, #tpu.memory_space<vmem>>
    %dma_start3A_6 = tpu.memref_squeeze %dma_start3A_5 : memref<1x8x26xi32, #tpu.memory_space<vmem>> -> memref<8x26xi32, #tpu.memory_space<vmem>>
    %dma_start3A_7 = arith.constant 0 : i32
    %dma_start3A_8 = tpu.memref_slice %arg2[%mul3A_2, %dma_start3A_7] : memref<16384x26xi32, #tpu.memory_space<hbm>> -> memref<8x26xi32, #tpu.memory_space<hbm>>
    %dma_start3A_9 = arith.constant 0 : i32
    %dma_start3A_10 = arith.constant 0 : i32
    %dma_start3A_11 = tpu.memref_slice %arg5[%dma_start3A, %dma_start3A_9, %dma_start3A_10] : memref<2x8x26xi32, #tpu.memory_space<vmem>> -> memref<1x8x26xi32, #tpu.memory_space<vmem>>
    %dma_start3A_12 = tpu.memref_squeeze %dma_start3A_11 : memref<1x8x26xi32, #tpu.memory_space<vmem>> -> memref<8x26xi32, #tpu.memory_space<vmem>>
    %dma_start3A_13 = arith.constant 0 : i32
    %dma_start3A_14 = tpu.memref_slice %arg2[%mul3A_2, %dma_start3A_13] : memref<16384x26xi32, #tpu.memory_space<hbm>> -> memref<8x26xi32, #tpu.memory_space<hbm>>
    tpu.enqueue_dma source(%dma_start3A_14 : memref<8x26xi32, #tpu.memory_space<hbm>>) target(%dma_start3A_12 : memref<8x26xi32, #tpu.memory_space<vmem>>) target_semaphore(%arg8 : memref<!tpu.dma_semaphore, #tpu.memory_space<semaphore_mem>>)
    %scan3A = arith.constant 0 : i32
    %scan3A_15 = arith.constant 0 : i32
    %scan3A_16 = arith.constant 64 : i32
    %scan3A_17 = arith.addi %scan3A_15, %scan3A_16 : i32
    %scan3A_18 = arith.constant 1 : i32
    scf.for %scan3A_57 = %scan3A_15 to %scan3A_17 step %scan3A_18  : i32 {
      %jit3A = arith.constant 2 : i32
      %eq3A = arith.constant 0 : i32
      %eq3A_58 = arith.cmpi eq, %jit3A, %eq3A : i32
      %jit3A_59 = arith.constant 1 : i32
      %select_n3A = arith.select %eq3A_58, %jit3A_59, %jit3A : i32
      %rem3A = arith.remsi %scan3A_57, %select_n3A : i32
      %ne3A = arith.constant 0 : i32
      %ne3A_60 = arith.cmpi ne, %rem3A, %ne3A : i32
      %lt3A = arith.constant 0 : i32
      %lt3A_61 = arith.cmpi slt, %rem3A, %lt3A : i32
      %lt3A_62 = arith.constant 0 : i32
      %lt3A_63 = arith.cmpi slt, %select_n3A, %lt3A_62 : i32
      %ne3A_64 = arith.xori %lt3A_61, %lt3A_63 : i1
      %and3A = arith.andi %ne3A_64, %ne3A_60 : i1
      %add3A_65 = arith.addi %rem3A, %select_n3A : i32
      %select_n3A_66 = arith.select %and3A, %add3A_65, %rem3A : i32
      %mul3A_67 = arith.constant 8 : i32
      %mul3A_68 = arith.muli %scan3A_57, %mul3A_67 : i32
      %add3A_69 = arith.addi %mul3A_2, %mul3A_68 : i32
      %dma_wait3A_70 = arith.constant 0 : i32
      %dma_wait3A_71 = arith.constant 0 : i32
      %dma_wait3A_72 = tpu.memref_slice %arg5[%select_n3A_66, %dma_wait3A_70, %dma_wait3A_71] : memref<2x8x26xi32, #tpu.memory_space<vmem>> -> memref<1x8x26xi32, #tpu.memory_space<vmem>>
      %dma_wait3A_73 = tpu.memref_squeeze %dma_wait3A_72 : memref<1x8x26xi32, #tpu.memory_space<vmem>> -> memref<8x26xi32, #tpu.memory_space<vmem>>
      %dma_wait3A_74 = arith.constant 0 : i32
      %dma_wait3A_75 = tpu.memref_slice %arg2[%add3A_69, %dma_wait3A_74] : memref<16384x26xi32, #tpu.memory_space<hbm>> -> memref<8x26xi32, #tpu.memory_space<hbm>>
      %dma_wait3A_76 = arith.constant 0 : i32
      %dma_wait3A_77 = arith.constant 0 : i32
      %dma_wait3A_78 = tpu.memref_slice %arg5[%select_n3A_66, %dma_wait3A_76, %dma_wait3A_77] : memref<2x8x26xi32, #tpu.memory_space<vmem>> -> memref<1x8x26xi32, #tpu.memory_space<vmem>>
      %dma_wait3A_79 = tpu.memref_squeeze %dma_wait3A_78 : memref<1x8x26xi32, #tpu.memory_space<vmem>> -> memref<8x26xi32, #tpu.memory_space<vmem>>
      %dma_wait3A_80 = arith.constant 0 : i32
      %dma_wait3A_81 = tpu.memref_slice %arg2[%add3A_69, %dma_wait3A_80] : memref<16384x26xi32, #tpu.memory_space<hbm>> -> memref<8x26xi32, #tpu.memory_space<hbm>>
      tpu.wait_dma2 semaphore(%arg8 : memref<!tpu.dma_semaphore, #tpu.memory_space<semaphore_mem>>) src(%dma_wait3A_81 : memref<8x26xi32, #tpu.memory_space<hbm>>) dst(%dma_wait3A_79 : memref<8x26xi32, #tpu.memory_space<vmem>>)
      %ge3A = arith.constant 2 : i32
      %ge3A_82 = arith.cmpi sge, %scan3A_57, %ge3A : i32
      %convert_element_type3A = arith.extui %ge3A_82 : i1 to i32
      %cond3A = arith.constant 0 : i32
      %cond3A_83 = arith.cmpi ne, %convert_element_type3A, %cond3A : i32
      scf.if %cond3A_83 {
        %sub3A = arith.constant 16 : i32
        %sub3A_119 = arith.subi %add3A_69, %sub3A : i32
        %dma_wait3A_120 = arith.constant 0 : i32
        %dma_wait3A_121 = arith.constant 0 : i32
        %dma_wait3A_122 = arith.constant 0 : i32
        %dma_wait3A_123 = tpu.memref_slice %arg6[%select_n3A_66, %dma_wait3A_120, %dma_wait3A_121, %dma_wait3A_122] : memref<2x8x26x32xf32, #tpu.memory_space<vmem>> -> memref<1x8x26x32xf32, #tpu.memory_space<vmem>>
        %dma_wait3A_124 = tpu.memref_squeeze %dma_wait3A_123 : memref<1x8x26x32xf32, #tpu.memory_space<vmem>> -> memref<8x26x32xf32, #tpu.memory_space<vmem>>
        %dma_wait3A_125 = arith.constant 0 : i32
        %dma_wait3A_126 = arith.constant 0 : i32
        %dma_wait3A_127 = tpu.memref_slice %arg4[%sub3A_119, %dma_wait3A_125, %dma_wait3A_126] : memref<16384x26x32xf32, #tpu.memory_space<hbm>> -> memref<8x26x32xf32, #tpu.memory_space<hbm>>
        %dma_wait3A_128 = arith.constant 0 : i32
        %dma_wait3A_129 = arith.constant 0 : i32
        %dma_wait3A_130 = tpu.memref_slice %arg4[%sub3A_119, %dma_wait3A_128, %dma_wait3A_129] : memref<16384x26x32xf32, #tpu.memory_space<hbm>> -> memref<8x26x32xf32, #tpu.memory_space<hbm>>
        %dma_wait3A_131 = arith.constant 0 : i32
        %dma_wait3A_132 = arith.constant 0 : i32
        %dma_wait3A_133 = arith.constant 0 : i32
        %dma_wait3A_134 = tpu.memref_slice %arg6[%select_n3A_66, %dma_wait3A_131, %dma_wait3A_132, %dma_wait3A_133] : memref<2x8x26x32xf32, #tpu.memory_space<vmem>> -> memref<1x8x26x32xf32, #tpu.memory_space<vmem>>
        %dma_wait3A_135 = tpu.memref_squeeze %dma_wait3A_134 : memref<1x8x26x32xf32, #tpu.memory_space<vmem>> -> memref<8x26x32xf32, #tpu.memory_space<vmem>>
        tpu.wait_dma2 semaphore(%arg9 : memref<!tpu.dma_semaphore, #tpu.memory_space<semaphore_mem>>) src(%dma_wait3A_135 : memref<8x26x32xf32, #tpu.memory_space<vmem>>) dst(%dma_wait3A_130 : memref<8x26x32xf32, #tpu.memory_space<hbm>>)
      } else {
      }
      %scan3A_84 = arith.constant 0 : i32
      %scan3A_85 = arith.constant 0 : i32
      %scan3A_86 = arith.constant 8 : i32
      %scan3A_87 = arith.addi %scan3A_85, %scan3A_86 : i32
      %scan3A_88 = arith.constant 1 : i32
      scf.for %scan3A_119 = %scan3A_85 to %scan3A_87 step %scan3A_88  : i32 {
        %get3A = arith.index_cast %select_n3A_66 : i32 to index
        %get3A_120 = arith.index_cast %scan3A_119 : i32 to index
        %get3A_121 = arith.constant 0 : index
        %get3A_122 = tpu.vector_load %arg5[%get3A, %get3A_120, %get3A_121] {strides = array<i32>} : memref<2x8x26xi32, #tpu.memory_space<vmem>>, vector<1x1x16xi32>,
        %get3A_123 = vector.shape_cast %get3A_122 : vector<1x1x16xi32> to vector<16xi32>
        %get3A_124 = arith.index_cast %select_n3A_66 : i32 to index
        %get3A_125 = arith.index_cast %scan3A_119 : i32 to index
        %get3A_126 = arith.constant 10 : index
        %get3A_127 = tpu.vector_load %arg5[%get3A_124, %get3A_125, %get3A_126] {strides = array<i32>} : memref<2x8x26xi32, #tpu.memory_space<vmem>>, vector<1x1x16xi32>,
        %get3A_128 = vector.shape_cast %get3A_127 : vector<1x1x16xi32> to vector<16xi32>
        %slice3A = vector.extract_strided_slice %get3A_123 {offsets = [0], sizes = [1], strides = [1]} : vector<16xi32> to vector<1xi32>
        %squeeze3A = vector.extract %slice3A[0] : i32 from vector<1xi32>
        %dma_start3A_129 = arith.constant 0 : i32
        %dma_start3A_130 = arith.constant 0 : i32
        %dma_start3A_131 = arith.constant 0 : i32
        %dma_start3A_132 = tpu.memref_slice %arg6[%select_n3A_66, %scan3A_119, %dma_start3A_130, %dma_start3A_131] : memref<2x8x26x32xf32, #tpu.memory_space<vmem>> -> memref<1x1x1x32xf32, #tpu.memory_space<vmem>>
        %dma_start3A_133 = tpu.memref_squeeze %dma_start3A_132 : memref<1x1x1x32xf32, #tpu.memory_space<vmem>> -> memref<32xf32, #tpu.memory_space<vmem>>
        %dma_start3A_134 = arith.constant 0 : i32
        %dma_start3A_135 = tpu.memref_slice %arg3[%dma_start3A_129, %squeeze3A, %dma_start3A_134] : memref<26x100001x32xf32, #tpu.memory_space<hbm>> -> memref<1x1x32xf32, #tpu.memory_space<hbm>>
        %dma_start3A_136 = tpu.memref_squeeze %dma_start3A_135 : memref<1x1x32xf32, #tpu.memory_space<hbm>> -> memref<32xf32, #tpu.memory_space<hbm>>
        %dma_start3A_137 = arith.constant 0 : i32
        %dma_start3A_138 = tpu.memref_slice %arg6[%select_n3A_66, %scan3A_119, %dma_start3A_130, %dma_start3A_137] : memref<2x8x26x32xf32, #tpu.memory_space<vmem>> -> memref<1x1x1x32xf32, #tpu.memory_space<vmem>>
        %dma_start3A_139 = tpu.memref_squeeze %dma_start3A_138 : memref<1x1x1x32xf32, #tpu.memory_space<vmem>> -> memref<32xf32, #tpu.memory_space<vmem>>
        %dma_start3A_140 = arith.constant 0 : i32
        %dma_start3A_141 = tpu.memref_slice %arg3[%dma_start3A_129, %squeeze3A, %dma_start3A_140] : memref<26x100001x32xf32, #tpu.memory_space<hbm>> -> memref<1x1x32xf32, #tpu.memory_space<hbm>>
        %dma_start3A_142 = tpu.memref_squeeze %dma_start3A_141 : memref<1x1x32xf32, #tpu.memory_space<hbm>> -> memref<32xf32, #tpu.memory_space<hbm>>
        tpu.enqueue_dma source(%dma_start3A_142 : memref<32xf32, #tpu.memory_space<hbm>>) target(%dma_start3A_139 : memref<32xf32, #tpu.memory_space<vmem>>) target_semaphore(%arg7 : memref<!tpu.dma_semaphore, #tpu.memory_space<semaphore_mem>>)
        %slice3A_143 = vector.extract_strided_slice %get3A_123 {offsets = [1], sizes = [1], strides = [1]} : vector<16xi32> to vector<1xi32>
        %squeeze3A_144 = vector.extract %slice3A_143[0] : i32 from vector<1xi32>
        %dma_start3A_145 = arith.constant 1 : i32
        %dma_start3A_146 = arith.constant 1 : i32
        %dma_start3A_147 = arith.constant 0 : i32
        %dma_start3A_148 = tpu.memref_slice %arg6[%select_n3A_66, %scan3A_119, %dma_start3A_146, %dma_start3A_147] : memref<2x8x26x32xf32, #tpu.memory_space<vmem>> -> memref<1x1x1x32xf32, #tpu.memory_space<vmem>>
        %dma_start3A_149 = tpu.memref_squeeze %dma_start3A_148 : memref<1x1x1x32xf32, #tpu.memory_space<vmem>> -> memref<32xf32, #tpu.memory_space<vmem>>
        %dma_start3A_150 = arith.constant 0 : i32
        %dma_start3A_151 = tpu.memref_slice %arg3[%dma_start3A_145, %squeeze3A_144, %dma_start3A_150] : memref<26x100001x32xf32, #tpu.memory_space<hbm>> -> memref<1x1x32xf32, #tpu.memory_space<hbm>>
        %dma_start3A_152 = tpu.memref_squeeze %dma_start3A_151 : memref<1x1x32xf32, #tpu.memory_space<hbm>> -> memref<32xf32, #tpu.memory_space<hbm>>
        %dma_start3A_153 = arith.constant 0 : i32
        %dma_start3A_154 = tpu.memref_slice %arg6[%select_n3A_66, %scan3A_119, %dma_start3A_146, %dma_start3A_153] : memref<2x8x26x32xf32, #tpu.memory_space<vmem>> -> memref<1x1x1x32xf32, #tpu.memory_space<vmem>>
        %dma_start3A_155 = tpu.memref_squeeze %dma_start3A_154 : memref<1x1x1x32xf32, #tpu.memory_space<vmem>> -> memref<32xf32, #tpu.memory_space<vmem>>
        %dma_start3A_156 = arith.constant 0 : i32
        %dma_start3A_157 = tpu.memref_slice %arg3[%dma_start3A_145, %squeeze3A_144, %dma_start3A_156] : memref<26x100001x32xf32, #tpu.memory_space<hbm>> -> memref<1x1x32xf32, #tpu.memory_space<hbm>>
        %dma_start3A_158 = tpu.memref_squeeze %dma_start3A_157 : memref<1x1x32xf32, #tpu.memory_space<hbm>> -> memref<32xf32, #tpu.memory_space<hbm>>
        tpu.enqueue_dma source(%dma_start3A_158 : memref<32xf32, #tpu.memory_space<hbm>>) target(%dma_start3A_155 : memref<32xf32, #tpu.memory_space<vmem>>) target_semaphore(%arg7 : memref<!tpu.dma_semaphore, #tpu.memory_space<semaphore_mem>>)
        %slice3A_159 = vector.extract_strided_slice %get3A_123 {offsets = [2], sizes = [1], strides = [1]} : vector<16xi32> to vector<1xi32>
        %squeeze3A_160 = vector.extract %slice3A_159[0] : i32 from vector<1xi32>
        %dma_start3A_161 = arith.constant 2 : i32
        %dma_start3A_162 = arith.constant 2 : i32
        %dma_start3A_163 = arith.constant 0 : i32
        %dma_start3A_164 = tpu.memref_slice %arg6[%select_n3A_66, %scan3A_119, %dma_start3A_162, %dma_start3A_163] : memref<2x8x26x32xf32, #tpu.memory_space<vmem>> -> memref<1x1x1x32xf32, #tpu.memory_space<vmem>>
        %dma_start3A_165 = tpu.memref_squeeze %dma_start3A_164 : memref<1x1x1x32xf32, #tpu.memory_space<vmem>> -> memref<32xf32, #tpu.memory_space<vmem>>
        %dma_start3A_166 = arith.constant 0 : i32
        %dma_start3A_167 = tpu.memref_slice %arg3[%dma_start3A_161, %squeeze3A_160, %dma_start3A_166] : memref<26x100001x32xf32, #tpu.memory_space<hbm>> -> memref<1x1x32xf32, #tpu.memory_space<hbm>>
        %dma_start3A_168 = tpu.memref_squeeze %dma_start3A_167 : memref<1x1x32xf32, #tpu.memory_space<hbm>> -> memref<32xf32, #tpu.memory_space<hbm>>
        %dma_start3A_169 = arith.constant 0 : i32
        %dma_start3A_170 = tpu.memref_slice %arg6[%select_n3A_66, %scan3A_119, %dma_start3A_162, %dma_start3A_169] : memref<2x8x26x32xf32, #tpu.memory_space<vmem>> -> memref<1x1x1x32xf32, #tpu.memory_space<vmem>>
        %dma_start3A_171 = tpu.memref_squeeze %dma_start3A_170 : memref<1x1x1x32xf32, #tpu.memory_space<vmem>> -> memref<32xf32, #tpu.memory_space<vmem>>
        %dma_start3A_172 = arith.constant 0 : i32
        %dma_start3A_173 = tpu.memref_slice %arg3[%dma_start3A_161, %squeeze3A_160, %dma_start3A_172] : memref<26x100001x32xf32, #tpu.memory_space<hbm>> -> memref<1x1x32xf32, #tpu.memory_space<hbm>>
        %dma_start3A_174 = tpu.memref_squeeze %dma_start3A_173 : memref<1x1x32xf32, #tpu.memory_space<hbm>> -> memref<32xf32, #tpu.memory_space<hbm>>
        tpu.enqueue_dma source(%dma_start3A_174 : memref<32xf32, #tpu.memory_space<hbm>>) target(%dma_start3A_171 : memref<32xf32, #tpu.memory_space<vmem>>) target_semaphore(%arg7 : memref<!tpu.dma_semaphore, #tpu.memory_space<semaphore_mem>>)
        %slice3A_175 = vector.extract_strided_slice %get3A_123 {offsets = [3], sizes = [1], strides = [1]} : vector<16xi32> to vector<1xi32>
        %squeeze3A_176 = vector.extract %slice3A_175[0] : i32 from vector<1xi32>
        %dma_start3A_177 = arith.constant 3 : i32
        %dma_start3A_178 = arith.constant 3 : i32
        %dma_start3A_179 = arith.constant 0 : i32
        %dma_start3A_180 = tpu.memref_slice %arg6[%select_n3A_66, %scan3A_119, %dma_start3A_178, %dma_start3A_179] : memref<2x8x26x32xf32, #tpu.memory_space<vmem>> -> memref<1x1x1x32xf32, #tpu.memory_space<vmem>>
        %dma_start3A_181 = tpu.memref_squeeze %dma_start3A_180 : memref<1x1x1x32xf32, #tpu.memory_space<vmem>> -> memref<32xf32, #tpu.memory_space<vmem>>
        %dma_start3A_182 = arith.constant 0 : i32
        %dma_start3A_183 = tpu.memref_slice %arg3[%dma_start3A_177, %squeeze3A_176, %dma_start3A_182] : memref<26x100001x32xf32, #tpu.memory_space<hbm>> -> memref<1x1x32xf32, #tpu.memory_space<hbm>>
        %dma_start3A_184 = tpu.memref_squeeze %dma_start3A_183 : memref<1x1x32xf32, #tpu.memory_space<hbm>> -> memref<32xf32, #tpu.memory_space<hbm>>
        %dma_start3A_185 = arith.constant 0 : i32
        %dma_start3A_186 = tpu.memref_slice %arg6[%select_n3A_66, %scan3A_119, %dma_start3A_178, %dma_start3A_185] : memref<2x8x26x32xf32, #tpu.memory_space<vmem>> -> memref<1x1x1x32xf32, #tpu.memory_space<vmem>>
        %dma_start3A_187 = tpu.memref_squeeze %dma_start3A_186 : memref<1x1x1x32xf32, #tpu.memory_space<vmem>> -> memref<32xf32, #tpu.memory_space<vmem>>
        %dma_start3A_188 = arith.constant 0 : i32
        %dma_start3A_189 = tpu.memref_slice %arg3[%dma_start3A_177, %squeeze3A_176, %dma_start3A_188] : memref<26x100001x32xf32, #tpu.memory_space<hbm>> -> memref<1x1x32xf32, #tpu.memory_space<hbm>>
        %dma_start3A_190 = tpu.memref_squeeze %dma_start3A_189 : memref<1x1x32xf32, #tpu.memory_space<hbm>> -> memref<32xf32, #tpu.memory_space<hbm>>
        tpu.enqueue_dma source(%dma_start3A_190 : memref<32xf32, #tpu.memory_space<hbm>>) target(%dma_start3A_187 : memref<32xf32, #tpu.memory_space<vmem>>) target_semaphore(%arg7 : memref<!tpu.dma_semaphore, #tpu.memory_space<semaphore_mem>>)
        %slice3A_191 = vector.extract_strided_slice %get3A_123 {offsets = [4], sizes = [1], strides = [1]} : vector<16xi32> to vector<1xi32>
        %squeeze3A_192 = vector.extract %slice3A_191[0] : i32 from vector<1xi32>
        %dma_start3A_193 = arith.constant 4 : i32
        %dma_start3A_194 = arith.constant 4 : i32
        %dma_start3A_195 = arith.constant 0 : i32
        %dma_start3A_196 = tpu.memref_slice %arg6[%select_n3A_66, %scan3A_119, %dma_start3A_194, %dma_start3A_195] : memref<2x8x26x32xf32, #tpu.memory_space<vmem>> -> memref<1x1x1x32xf32, #tpu.memory_space<vmem>>
        %dma_start3A_197 = tpu.memref_squeeze %dma_start3A_196 : memref<1x1x1x32xf32, #tpu.memory_space<vmem>> -> memref<32xf32, #tpu.memory_space<vmem>>
        %dma_start3A_198 = arith.constant 0 : i32
        %dma_start3A_199 = tpu.memref_slice %arg3[%dma_start3A_193, %squeeze3A_192, %dma_start3A_198] : memref<26x100001x32xf32, #tpu.memory_space<hbm>> -> memref<1x1x32xf32, #tpu.memory_space<hbm>>
        %dma_start3A_200 = tpu.memref_squeeze %dma_start3A_199 : memref<1x1x32xf32, #tpu.memory_space<hbm>> -> memref<32xf32, #tpu.memory_space<hbm>>
        %dma_start3A_201 = arith.constant 0 : i32
        %dma_start3A_202 = tpu.memref_slice %arg6[%select_n3A_66, %scan3A_119, %dma_start3A_194, %dma_start3A_201] : memref<2x8x26x32xf32, #tpu.memory_space<vmem>> -> memref<1x1x1x32xf32, #tpu.memory_space<vmem>>
        %dma_start3A_203 = tpu.memref_squeeze %dma_start3A_202 : memref<1x1x1x32xf32, #tpu.memory_space<vmem>> -> memref<32xf32, #tpu.memory_space<vmem>>
        %dma_start3A_204 = arith.constant 0 : i32
        %dma_start3A_205 = tpu.memref_slice %arg3[%dma_start3A_193, %squeeze3A_192, %dma_start3A_204] : memref<26x100001x32xf32, #tpu.memory_space<hbm>> -> memref<1x1x32xf32, #tpu.memory_space<hbm>>
        %dma_start3A_206 = tpu.memref_squeeze %dma_start3A_205 : memref<1x1x32xf32, #tpu.memory_space<hbm>> -> memref<32xf32, #tpu.memory_space<hbm>>
        tpu.enqueue_dma source(%dma_start3A_206 : memref<32xf32, #tpu.memory_space<hbm>>) target(%dma_start3A_203 : memref<32xf32, #tpu.memory_space<vmem>>) target_semaphore(%arg7 : memref<!tpu.dma_semaphore, #tpu.memory_space<semaphore_mem>>)
        %slice3A_207 = vector.extract_strided_slice %get3A_123 {offsets = [5], sizes = [1], strides = [1]} : vector<16xi32> to vector<1xi32>
        %squeeze3A_208 = vector.extract %slice3A_207[0] : i32 from vector<1xi32>
        %dma_start3A_209 = arith.constant 5 : i32
        %dma_start3A_210 = arith.constant 5 : i32
        %dma_start3A_211 = arith.constant 0 : i32
        %dma_start3A_212 = tpu.memref_slice %arg6[%select_n3A_66, %scan3A_119, %dma_start3A_210, %dma_start3A_211] : memref<2x8x26x32xf32, #tpu.memory_space<vmem>> -> memref<1x1x1x32xf32, #tpu.memory_space<vmem>>
        %dma_start3A_213 = tpu.memref_squeeze %dma_start3A_212 : memref<1x1x1x32xf32, #tpu.memory_space<vmem>> -> memref<32xf32, #tpu.memory_space<vmem>>
        %dma_start3A_214 = arith.constant 0 : i32
        %dma_start3A_215 = tpu.memref_slice %arg3[%dma_start3A_209, %squeeze3A_208, %dma_start3A_214] : memref<26x100001x32xf32, #tpu.memory_space<hbm>> -> memref<1x1x32xf32, #tpu.memory_space<hbm>>
        %dma_start3A_216 = tpu.memref_squeeze %dma_start3A_215 : memref<1x1x32xf32, #tpu.memory_space<hbm>> -> memref<32xf32, #tpu.memory_space<hbm>>
        %dma_start3A_217 = arith.constant 0 : i32
        %dma_start3A_218 = tpu.memref_slice %arg6[%select_n3A_66, %scan3A_119, %dma_start3A_210, %dma_start3A_217] : memref<2x8x26x32xf32, #tpu.memory_space<vmem>> -> memref<1x1x1x32xf32, #tpu.memory_space<vmem>>
        %dma_start3A_219 = tpu.memref_squeeze %dma_start3A_218 : memref<1x1x1x32xf32, #tpu.memory_space<vmem>> -> memref<32xf32, #tpu.memory_space<vmem>>
        %dma_start3A_220 = arith.constant 0 : i32
        %dma_start3A_221 = tpu.memref_slice %arg3[%dma_start3A_209, %squeeze3A_208, %dma_start3A_220] : memref<26x100001x32xf32, #tpu.memory_space<hbm>> -> memref<1x1x32xf32, #tpu.memory_space<hbm>>
        %dma_start3A_222 = tpu.memref_squeeze %dma_start3A_221 : memref<1x1x32xf32, #tpu.memory_space<hbm>> -> memref<32xf32, #tpu.memory_space<hbm>>
        tpu.enqueue_dma source(%dma_start3A_222 : memref<32xf32, #tpu.memory_space<hbm>>) target(%dma_start3A_219 : memref<32xf32, #tpu.memory_space<vmem>>) target_semaphore(%arg7 : memref<!tpu.dma_semaphore, #tpu.memory_space<semaphore_mem>>)
        %slice3A_223 = vector.extract_strided_slice %get3A_123 {offsets = [6], sizes = [1], strides = [1]} : vector<16xi32> to vector<1xi32>
        %squeeze3A_224 = vector.extract %slice3A_223[0] : i32 from vector<1xi32>
        %dma_start3A_225 = arith.constant 6 : i32
        %dma_start3A_226 = arith.constant 6 : i32
        %dma_start3A_227 = arith.constant 0 : i32
        %dma_start3A_228 = tpu.memref_slice %arg6[%select_n3A_66, %scan3A_119, %dma_start3A_226, %dma_start3A_227] : memref<2x8x26x32xf32, #tpu.memory_space<vmem>> -> memref<1x1x1x32xf32, #tpu.memory_space<vmem>>
        %dma_start3A_229 = tpu.memref_squeeze %dma_start3A_228 : memref<1x1x1x32xf32, #tpu.memory_space<vmem>> -> memref<32xf32, #tpu.memory_space<vmem>>
        %dma_start3A_230 = arith.constant 0 : i32
        %dma_start3A_231 = tpu.memref_slice %arg3[%dma_start3A_225, %squeeze3A_224, %dma_start3A_230] : memref<26x100001x32xf32, #tpu.memory_space<hbm>> -> memref<1x1x32xf32, #tpu.memory_space<hbm>>
        %dma_start3A_232 = tpu.memref_squeeze %dma_start3A_231 : memref<1x1x32xf32, #tpu.memory_space<hbm>> -> memref<32xf32, #tpu.memory_space<hbm>>
        %dma_start3A_233 = arith.constant 0 : i32
        %dma_start3A_234 = tpu.memref_slice %arg6[%select_n3A_66, %scan3A_119, %dma_start3A_226, %dma_start3A_233] : memref<2x8x26x32xf32, #tpu.memory_space<vmem>> -> memref<1x1x1x32xf32, #tpu.memory_space<vmem>>
        %dma_start3A_235 = tpu.memref_squeeze %dma_start3A_234 : memref<1x1x1x32xf32, #tpu.memory_space<vmem>> -> memref<32xf32, #tpu.memory_space<vmem>>
        %dma_start3A_236 = arith.constant 0 : i32
        %dma_start3A_237 = tpu.memref_slice %arg3[%dma_start3A_225, %squeeze3A_224, %dma_start3A_236] : memref<26x100001x32xf32, #tpu.memory_space<hbm>> -> memref<1x1x32xf32, #tpu.memory_space<hbm>>
        %dma_start3A_238 = tpu.memref_squeeze %dma_start3A_237 : memref<1x1x32xf32, #tpu.memory_space<hbm>> -> memref<32xf32, #tpu.memory_space<hbm>>
        tpu.enqueue_dma source(%dma_start3A_238 : memref<32xf32, #tpu.memory_space<hbm>>) target(%dma_start3A_235 : memref<32xf32, #tpu.memory_space<vmem>>) target_semaphore(%arg7 : memref<!tpu.dma_semaphore, #tpu.memory_space<semaphore_mem>>)
        %slice3A_239 = vector.extract_strided_slice %get3A_123 {offsets = [7], sizes = [1], strides = [1]} : vector<16xi32> to vector<1xi32>
        %squeeze3A_240 = vector.extract %slice3A_239[0] : i32 from vector<1xi32>
        %dma_start3A_241 = arith.constant 7 : i32
        %dma_start3A_242 = arith.constant 7 : i32
        %dma_start3A_243 = arith.constant 0 : i32
        %dma_start3A_244 = tpu.memref_slice %arg6[%select_n3A_66, %scan3A_119, %dma_start3A_242, %dma_start3A_243] : memref<2x8x26x32xf32, #tpu.memory_space<vmem>> -> memref<1x1x1x32xf32, #tpu.memory_space<vmem>>
        %dma_start3A_245 = tpu.memref_squeeze %dma_start3A_244 : memref<1x1x1x32xf32, #tpu.memory_space<vmem>> -> memref<32xf32, #tpu.memory_space<vmem>>
        %dma_start3A_246 = arith.constant 0 : i32
        %dma_start3A_247 = tpu.memref_slice %arg3[%dma_start3A_241, %squeeze3A_240, %dma_start3A_246] : memref<26x100001x32xf32, #tpu.memory_space<hbm>> -> memref<1x1x32xf32, #tpu.memory_space<hbm>>
        %dma_start3A_248 = tpu.memref_squeeze %dma_start3A_247 : memref<1x1x32xf32, #tpu.memory_space<hbm>> -> memref<32xf32, #tpu.memory_space<hbm>>
        %dma_start3A_249 = arith.constant 0 : i32
        %dma_start3A_250 = tpu.memref_slice %arg6[%select_n3A_66, %scan3A_119, %dma_start3A_242, %dma_start3A_249] : memref<2x8x26x32xf32, #tpu.memory_space<vmem>> -> memref<1x1x1x32xf32, #tpu.memory_space<vmem>>
        %dma_start3A_251 = tpu.memref_squeeze %dma_start3A_250 : memref<1x1x1x32xf32, #tpu.memory_space<vmem>> -> memref<32xf32, #tpu.memory_space<vmem>>
        %dma_start3A_252 = arith.constant 0 : i32
        %dma_start3A_253 = tpu.memref_slice %arg3[%dma_start3A_241, %squeeze3A_240, %dma_start3A_252] : memref<26x100001x32xf32, #tpu.memory_space<hbm>> -> memref<1x1x32xf32, #tpu.memory_space<hbm>>
        %dma_start3A_254 = tpu.memref_squeeze %dma_start3A_253 : memref<1x1x32xf32, #tpu.memory_space<hbm>> -> memref<32xf32, #tpu.memory_space<hbm>>
        tpu.enqueue_dma source(%dma_start3A_254 : memref<32xf32, #tpu.memory_space<hbm>>) target(%dma_start3A_251 : memref<32xf32, #tpu.memory_space<vmem>>) target_semaphore(%arg7 : memref<!tpu.dma_semaphore, #tpu.memory_space<semaphore_mem>>)
        %slice3A_255 = vector.extract_strided_slice %get3A_123 {offsets = [8], sizes = [1], strides = [1]} : vector<16xi32> to vector<1xi32>
        %squeeze3A_256 = vector.extract %slice3A_255[0] : i32 from vector<1xi32>
        %dma_start3A_257 = arith.constant 8 : i32
        %dma_start3A_258 = arith.constant 8 : i32
        %dma_start3A_259 = arith.constant 0 : i32
        %dma_start3A_260 = tpu.memref_slice %arg6[%select_n3A_66, %scan3A_119, %dma_start3A_258, %dma_start3A_259] : memref<2x8x26x32xf32, #tpu.memory_space<vmem>> -> memref<1x1x1x32xf32, #tpu.memory_space<vmem>>
        %dma_start3A_261 = tpu.memref_squeeze %dma_start3A_260 : memref<1x1x1x32xf32, #tpu.memory_space<vmem>> -> memref<32xf32, #tpu.memory_space<vmem>>
        %dma_start3A_262 = arith.constant 0 : i32
        %dma_start3A_263 = tpu.memref_slice %arg3[%dma_start3A_257, %squeeze3A_256, %dma_start3A_262] : memref<26x100001x32xf32, #tpu.memory_space<hbm>> -> memref<1x1x32xf32, #tpu.memory_space<hbm>>
        %dma_start3A_264 = tpu.memref_squeeze %dma_start3A_263 : memref<1x1x32xf32, #tpu.memory_space<hbm>> -> memref<32xf32, #tpu.memory_space<hbm>>
        %dma_start3A_265 = arith.constant 0 : i32
        %dma_start3A_266 = tpu.memref_slice %arg6[%select_n3A_66, %scan3A_119, %dma_start3A_258, %dma_start3A_265] : memref<2x8x26x32xf32, #tpu.memory_space<vmem>> -> memref<1x1x1x32xf32, #tpu.memory_space<vmem>>
        %dma_start3A_267 = tpu.memref_squeeze %dma_start3A_266 : memref<1x1x1x32xf32, #tpu.memory_space<vmem>> -> memref<32xf32, #tpu.memory_space<vmem>>
        %dma_start3A_268 = arith.constant 0 : i32
        %dma_start3A_269 = tpu.memref_slice %arg3[%dma_start3A_257, %squeeze3A_256, %dma_start3A_268] : memref<26x100001x32xf32, #tpu.memory_space<hbm>> -> memref<1x1x32xf32, #tpu.memory_space<hbm>>
        %dma_start3A_270 = tpu.memref_squeeze %dma_start3A_269 : memref<1x1x32xf32, #tpu.memory_space<hbm>> -> memref<32xf32, #tpu.memory_space<hbm>>
        tpu.enqueue_dma source(%dma_start3A_270 : memref<32xf32, #tpu.memory_space<hbm>>) target(%dma_start3A_267 : memref<32xf32, #tpu.memory_space<vmem>>) target_semaphore(%arg7 : memref<!tpu.dma_semaphore, #tpu.memory_space<semaphore_mem>>)
        %slice3A_271 = vector.extract_strided_slice %get3A_123 {offsets = [9], sizes = [1], strides = [1]} : vector<16xi32> to vector<1xi32>
        %squeeze3A_272 = vector.extract %slice3A_271[0] : i32 from vector<1xi32>
        %dma_start3A_273 = arith.constant 9 : i32
        %dma_start3A_274 = arith.constant 9 : i32
        %dma_start3A_275 = arith.constant 0 : i32
        %dma_start3A_276 = tpu.memref_slice %arg6[%select_n3A_66, %scan3A_119, %dma_start3A_274, %dma_start3A_275] : memref<2x8x26x32xf32, #tpu.memory_space<vmem>> -> memref<1x1x1x32xf32, #tpu.memory_space<vmem>>
        %dma_start3A_277 = tpu.memref_squeeze %dma_start3A_276 : memref<1x1x1x32xf32, #tpu.memory_space<vmem>> -> memref<32xf32, #tpu.memory_space<vmem>>
        %dma_start3A_278 = arith.constant 0 : i32
        %dma_start3A_279 = tpu.memref_slice %arg3[%dma_start3A_273, %squeeze3A_272, %dma_start3A_278] : memref<26x100001x32xf32, #tpu.memory_space<hbm>> -> memref<1x1x32xf32, #tpu.memory_space<hbm>>
        %dma_start3A_280 = tpu.memref_squeeze %dma_start3A_279 : memref<1x1x32xf32, #tpu.memory_space<hbm>> -> memref<32xf32, #tpu.memory_space<hbm>>
        %dma_start3A_281 = arith.constant 0 : i32
        %dma_start3A_282 = tpu.memref_slice %arg6[%select_n3A_66, %scan3A_119, %dma_start3A_274, %dma_start3A_281] : memref<2x8x26x32xf32, #tpu.memory_space<vmem>> -> memref<1x1x1x32xf32, #tpu.memory_space<vmem>>
        %dma_start3A_283 = tpu.memref_squeeze %dma_start3A_282 : memref<1x1x1x32xf32, #tpu.memory_space<vmem>> -> memref<32xf32, #tpu.memory_space<vmem>>
        %dma_start3A_284 = arith.constant 0 : i32
        %dma_start3A_285 = tpu.memref_slice %arg3[%dma_start3A_273, %squeeze3A_272, %dma_start3A_284] : memref<26x100001x32xf32, #tpu.memory_space<hbm>> -> memref<1x1x32xf32, #tpu.memory_space<hbm>>
        %dma_start3A_286 = tpu.memref_squeeze %dma_start3A_285 : memref<1x1x32xf32, #tpu.memory_space<hbm>> -> memref<32xf32, #tpu.memory_space<hbm>>
        tpu.enqueue_dma source(%dma_start3A_286 : memref<32xf32, #tpu.memory_space<hbm>>) target(%dma_start3A_283 : memref<32xf32, #tpu.memory_space<vmem>>) target_semaphore(%arg7 : memref<!tpu.dma_semaphore, #tpu.memory_space<semaphore_mem>>)
        %slice3A_287 = vector.extract_strided_slice %get3A_123 {offsets = [10], sizes = [1], strides = [1]} : vector<16xi32> to vector<1xi32>
        %squeeze3A_288 = vector.extract %slice3A_287[0] : i32 from vector<1xi32>
        %dma_start3A_289 = arith.constant 10 : i32
        %dma_start3A_290 = arith.constant 10 : i32
        %dma_start3A_291 = arith.constant 0 : i32
        %dma_start3A_292 = tpu.memref_slice %arg6[%select_n3A_66, %scan3A_119, %dma_start3A_290, %dma_start3A_291] : memref<2x8x26x32xf32, #tpu.memory_space<vmem>> -> memref<1x1x1x32xf32, #tpu.memory_space<vmem>>
        %dma_start3A_293 = tpu.memref_squeeze %dma_start3A_292 : memref<1x1x1x32xf32, #tpu.memory_space<vmem>> -> memref<32xf32, #tpu.memory_space<vmem>>
        %dma_start3A_294 = arith.constant 0 : i32
        %dma_start3A_295 = tpu.memref_slice %arg3[%dma_start3A_289, %squeeze3A_288, %dma_start3A_294] : memref<26x100001x32xf32, #tpu.memory_space<hbm>> -> memref<1x1x32xf32, #tpu.memory_space<hbm>>
        %dma_start3A_296 = tpu.memref_squeeze %dma_start3A_295 : memref<1x1x32xf32, #tpu.memory_space<hbm>> -> memref<32xf32, #tpu.memory_space<hbm>>
        %dma_start3A_297 = arith.constant 0 : i32
        %dma_start3A_298 = tpu.memref_slice %arg6[%select_n3A_66, %scan3A_119, %dma_start3A_290, %dma_start3A_297] : memref<2x8x26x32xf32, #tpu.memory_space<vmem>> -> memref<1x1x1x32xf32, #tpu.memory_space<vmem>>
        %dma_start3A_299 = tpu.memref_squeeze %dma_start3A_298 : memref<1x1x1x32xf32, #tpu.memory_space<vmem>> -> memref<32xf32, #tpu.memory_space<vmem>>
        %dma_start3A_300 = arith.constant 0 : i32
        %dma_start3A_301 = tpu.memref_slice %arg3[%dma_start3A_289, %squeeze3A_288, %dma_start3A_300] : memref<26x100001x32xf32, #tpu.memory_space<hbm>> -> memref<1x1x32xf32, #tpu.memory_space<hbm>>
        %dma_start3A_302 = tpu.memref_squeeze %dma_start3A_301 : memref<1x1x32xf32, #tpu.memory_space<hbm>> -> memref<32xf32, #tpu.memory_space<hbm>>
        tpu.enqueue_dma source(%dma_start3A_302 : memref<32xf32, #tpu.memory_space<hbm>>) target(%dma_start3A_299 : memref<32xf32, #tpu.memory_space<vmem>>) target_semaphore(%arg7 : memref<!tpu.dma_semaphore, #tpu.memory_space<semaphore_mem>>)
        %slice3A_303 = vector.extract_strided_slice %get3A_123 {offsets = [11], sizes = [1], strides = [1]} : vector<16xi32> to vector<1xi32>
        %squeeze3A_304 = vector.extract %slice3A_303[0] : i32 from vector<1xi32>
        %dma_start3A_305 = arith.constant 11 : i32
        %dma_start3A_306 = arith.constant 11 : i32
        %dma_start3A_307 = arith.constant 0 : i32
        %dma_start3A_308 = tpu.memref_slice %arg6[%select_n3A_66, %scan3A_119, %dma_start3A_306, %dma_start3A_307] : memref<2x8x26x32xf32, #tpu.memory_space<vmem>> -> memref<1x1x1x32xf32, #tpu.memory_space<vmem>>
        %dma_start3A_309 = tpu.memref_squeeze %dma_start3A_308 : memref<1x1x1x32xf32, #tpu.memory_space<vmem>> -> memref<32xf32, #tpu.memory_space<vmem>>
        %dma_start3A_310 = arith.constant 0 : i32
        %dma_start3A_311 = tpu.memref_slice %arg3[%dma_start3A_305, %squeeze3A_304, %dma_start3A_310] : memref<26x100001x32xf32, #tpu.memory_space<hbm>> -> memref<1x1x32xf32, #tpu.memory_space<hbm>>
        %dma_start3A_312 = tpu.memref_squeeze %dma_start3A_311 : memref<1x1x32xf32, #tpu.memory_space<hbm>> -> memref<32xf32, #tpu.memory_space<hbm>>
        %dma_start3A_313 = arith.constant 0 : i32
        %dma_start3A_314 = tpu.memref_slice %arg6[%select_n3A_66, %scan3A_119, %dma_start3A_306, %dma_start3A_313] : memref<2x8x26x32xf32, #tpu.memory_space<vmem>> -> memref<1x1x1x32xf32, #tpu.memory_space<vmem>>
        %dma_start3A_315 = tpu.memref_squeeze %dma_start3A_314 : memref<1x1x1x32xf32, #tpu.memory_space<vmem>> -> memref<32xf32, #tpu.memory_space<vmem>>
        %dma_start3A_316 = arith.constant 0 : i32
        %dma_start3A_317 = tpu.memref_slice %arg3[%dma_start3A_305, %squeeze3A_304, %dma_start3A_316] : memref<26x100001x32xf32, #tpu.memory_space<hbm>> -> memref<1x1x32xf32, #tpu.memory_space<hbm>>
        %dma_start3A_318 = tpu.memref_squeeze %dma_start3A_317 : memref<1x1x32xf32, #tpu.memory_space<hbm>> -> memref<32xf32, #tpu.memory_space<hbm>>
        tpu.enqueue_dma source(%dma_start3A_318 : memref<32xf32, #tpu.memory_space<hbm>>) target(%dma_start3A_315 : memref<32xf32, #tpu.memory_space<vmem>>) target_semaphore(%arg7 : memref<!tpu.dma_semaphore, #tpu.memory_space<semaphore_mem>>)
        %slice3A_319 = vector.extract_strided_slice %get3A_123 {offsets = [12], sizes = [1], strides = [1]} : vector<16xi32> to vector<1xi32>
        %squeeze3A_320 = vector.extract %slice3A_319[0] : i32 from vector<1xi32>
        %dma_start3A_321 = arith.constant 12 : i32
        %dma_start3A_322 = arith.constant 12 : i32
        %dma_start3A_323 = arith.constant 0 : i32
        %dma_start3A_324 = tpu.memref_slice %arg6[%select_n3A_66, %scan3A_119, %dma_start3A_322, %dma_start3A_323] : memref<2x8x26x32xf32, #tpu.memory_space<vmem>> -> memref<1x1x1x32xf32, #tpu.memory_space<vmem>>
        %dma_start3A_325 = tpu.memref_squeeze %dma_start3A_324 : memref<1x1x1x32xf32, #tpu.memory_space<vmem>> -> memref<32xf32, #tpu.memory_space<vmem>>
        %dma_start3A_326 = arith.constant 0 : i32
        %dma_start3A_327 = tpu.memref_slice %arg3[%dma_start3A_321, %squeeze3A_320, %dma_start3A_326] : memref<26x100001x32xf32, #tpu.memory_space<hbm>> -> memref<1x1x32xf32, #tpu.memory_space<hbm>>
        %dma_start3A_328 = tpu.memref_squeeze %dma_start3A_327 : memref<1x1x32xf32, #tpu.memory_space<hbm>> -> memref<32xf32, #tpu.memory_space<hbm>>
        %dma_start3A_329 = arith.constant 0 : i32
        %dma_start3A_330 = tpu.memref_slice %arg6[%select_n3A_66, %scan3A_119, %dma_start3A_322, %dma_start3A_329] : memref<2x8x26x32xf32, #tpu.memory_space<vmem>> -> memref<1x1x1x32xf32, #tpu.memory_space<vmem>>
        %dma_start3A_331 = tpu.memref_squeeze %dma_start3A_330 : memref<1x1x1x32xf32, #tpu.memory_space<vmem>> -> memref<32xf32, #tpu.memory_space<vmem>>
        %dma_start3A_332 = arith.constant 0 : i32
        %dma_start3A_333 = tpu.memref_slice %arg3[%dma_start3A_321, %squeeze3A_320, %dma_start3A_332] : memref<26x100001x32xf32, #tpu.memory_space<hbm>> -> memref<1x1x32xf32, #tpu.memory_space<hbm>>
        %dma_start3A_334 = tpu.memref_squeeze %dma_start3A_333 : memref<1x1x32xf32, #tpu.memory_space<hbm>> -> memref<32xf32, #tpu.memory_space<hbm>>
        tpu.enqueue_dma source(%dma_start3A_334 : memref<32xf32, #tpu.memory_space<hbm>>) target(%dma_start3A_331 : memref<32xf32, #tpu.memory_space<vmem>>) target_semaphore(%arg7 : memref<!tpu.dma_semaphore, #tpu.memory_space<semaphore_mem>>)
        %slice3A_335 = vector.extract_strided_slice %get3A_123 {offsets = [13], sizes = [1], strides = [1]} : vector<16xi32> to vector<1xi32>
        %squeeze3A_336 = vector.extract %slice3A_335[0] : i32 from vector<1xi32>
        %dma_start3A_337 = arith.constant 13 : i32
        %dma_start3A_338 = arith.constant 13 : i32
        %dma_start3A_339 = arith.constant 0 : i32
        %dma_start3A_340 = tpu.memref_slice %arg6[%select_n3A_66, %scan3A_119, %dma_start3A_338, %dma_start3A_339] : memref<2x8x26x32xf32, #tpu.memory_space<vmem>> -> memref<1x1x1x32xf32, #tpu.memory_space<vmem>>
        %dma_start3A_341 = tpu.memref_squeeze %dma_start3A_340 : memref<1x1x1x32xf32, #tpu.memory_space<vmem>> -> memref<32xf32, #tpu.memory_space<vmem>>
        %dma_start3A_342 = arith.constant 0 : i32
        %dma_start3A_343 = tpu.memref_slice %arg3[%dma_start3A_337, %squeeze3A_336, %dma_start3A_342] : memref<26x100001x32xf32, #tpu.memory_space<hbm>> -> memref<1x1x32xf32, #tpu.memory_space<hbm>>
        %dma_start3A_344 = tpu.memref_squeeze %dma_start3A_343 : memref<1x1x32xf32, #tpu.memory_space<hbm>> -> memref<32xf32, #tpu.memory_space<hbm>>
        %dma_start3A_345 = arith.constant 0 : i32
        %dma_start3A_346 = tpu.memref_slice %arg6[%select_n3A_66, %scan3A_119, %dma_start3A_338, %dma_start3A_345] : memref<2x8x26x32xf32, #tpu.memory_space<vmem>> -> memref<1x1x1x32xf32, #tpu.memory_space<vmem>>
        %dma_start3A_347 = tpu.memref_squeeze %dma_start3A_346 : memref<1x1x1x32xf32, #tpu.memory_space<vmem>> -> memref<32xf32, #tpu.memory_space<vmem>>
        %dma_start3A_348 = arith.constant 0 : i32
        %dma_start3A_349 = tpu.memref_slice %arg3[%dma_start3A_337, %squeeze3A_336, %dma_start3A_348] : memref<26x100001x32xf32, #tpu.memory_space<hbm>> -> memref<1x1x32xf32, #tpu.memory_space<hbm>>
        %dma_start3A_350 = tpu.memref_squeeze %dma_start3A_349 : memref<1x1x32xf32, #tpu.memory_space<hbm>> -> memref<32xf32, #tpu.memory_space<hbm>>
        tpu.enqueue_dma source(%dma_start3A_350 : memref<32xf32, #tpu.memory_space<hbm>>) target(%dma_start3A_347 : memref<32xf32, #tpu.memory_space<vmem>>) target_semaphore(%arg7 : memref<!tpu.dma_semaphore, #tpu.memory_space<semaphore_mem>>)
        %slice3A_351 = vector.extract_strided_slice %get3A_123 {offsets = [14], sizes = [1], strides = [1]} : vector<16xi32> to vector<1xi32>
        %squeeze3A_352 = vector.extract %slice3A_351[0] : i32 from vector<1xi32>
        %dma_start3A_353 = arith.constant 14 : i32
        %dma_start3A_354 = arith.constant 14 : i32
        %dma_start3A_355 = arith.constant 0 : i32
        %dma_start3A_356 = tpu.memref_slice %arg6[%select_n3A_66, %scan3A_119, %dma_start3A_354, %dma_start3A_355] : memref<2x8x26x32xf32, #tpu.memory_space<vmem>> -> memref<1x1x1x32xf32, #tpu.memory_space<vmem>>
        %dma_start3A_357 = tpu.memref_squeeze %dma_start3A_356 : memref<1x1x1x32xf32, #tpu.memory_space<vmem>> -> memref<32xf32, #tpu.memory_space<vmem>>
        %dma_start3A_358 = arith.constant 0 : i32
        %dma_start3A_359 = tpu.memref_slice %arg3[%dma_start3A_353, %squeeze3A_352, %dma_start3A_358] : memref<26x100001x32xf32, #tpu.memory_space<hbm>> -> memref<1x1x32xf32, #tpu.memory_space<hbm>>
        %dma_start3A_360 = tpu.memref_squeeze %dma_start3A_359 : memref<1x1x32xf32, #tpu.memory_space<hbm>> -> memref<32xf32, #tpu.memory_space<hbm>>
        %dma_start3A_361 = arith.constant 0 : i32
        %dma_start3A_362 = tpu.memref_slice %arg6[%select_n3A_66, %scan3A_119, %dma_start3A_354, %dma_start3A_361] : memref<2x8x26x32xf32, #tpu.memory_space<vmem>> -> memref<1x1x1x32xf32, #tpu.memory_space<vmem>>
        %dma_start3A_363 = tpu.memref_squeeze %dma_start3A_362 : memref<1x1x1x32xf32, #tpu.memory_space<vmem>> -> memref<32xf32, #tpu.memory_space<vmem>>
        %dma_start3A_364 = arith.constant 0 : i32
        %dma_start3A_365 = tpu.memref_slice %arg3[%dma_start3A_353, %squeeze3A_352, %dma_start3A_364] : memref<26x100001x32xf32, #tpu.memory_space<hbm>> -> memref<1x1x32xf32, #tpu.memory_space<hbm>>
        %dma_start3A_366 = tpu.memref_squeeze %dma_start3A_365 : memref<1x1x32xf32, #tpu.memory_space<hbm>> -> memref<32xf32, #tpu.memory_space<hbm>>
        tpu.enqueue_dma source(%dma_start3A_366 : memref<32xf32, #tpu.memory_space<hbm>>) target(%dma_start3A_363 : memref<32xf32, #tpu.memory_space<vmem>>) target_semaphore(%arg7 : memref<!tpu.dma_semaphore, #tpu.memory_space<semaphore_mem>>)
        %slice3A_367 = vector.extract_strided_slice %get3A_123 {offsets = [15], sizes = [1], strides = [1]} : vector<16xi32> to vector<1xi32>
        %squeeze3A_368 = vector.extract %slice3A_367[0] : i32 from vector<1xi32>
        %dma_start3A_369 = arith.constant 15 : i32
        %dma_start3A_370 = arith.constant 15 : i32
        %dma_start3A_371 = arith.constant 0 : i32
        %dma_start3A_372 = tpu.memref_slice %arg6[%select_n3A_66, %scan3A_119, %dma_start3A_370, %dma_start3A_371] : memref<2x8x26x32xf32, #tpu.memory_space<vmem>> -> memref<1x1x1x32xf32, #tpu.memory_space<vmem>>
        %dma_start3A_373 = tpu.memref_squeeze %dma_start3A_372 : memref<1x1x1x32xf32, #tpu.memory_space<vmem>> -> memref<32xf32, #tpu.memory_space<vmem>>
        %dma_start3A_374 = arith.constant 0 : i32
        %dma_start3A_375 = tpu.memref_slice %arg3[%dma_start3A_369, %squeeze3A_368, %dma_start3A_374] : memref<26x100001x32xf32, #tpu.memory_space<hbm>> -> memref<1x1x32xf32, #tpu.memory_space<hbm>>
        %dma_start3A_376 = tpu.memref_squeeze %dma_start3A_375 : memref<1x1x32xf32, #tpu.memory_space<hbm>> -> memref<32xf32, #tpu.memory_space<hbm>>
        %dma_start3A_377 = arith.constant 0 : i32
        %dma_start3A_378 = tpu.memref_slice %arg6[%select_n3A_66, %scan3A_119, %dma_start3A_370, %dma_start3A_377] : memref<2x8x26x32xf32, #tpu.memory_space<vmem>> -> memref<1x1x1x32xf32, #tpu.memory_space<vmem>>
        %dma_start3A_379 = tpu.memref_squeeze %dma_start3A_378 : memref<1x1x1x32xf32, #tpu.memory_space<vmem>> -> memref<32xf32, #tpu.memory_space<vmem>>
        %dma_start3A_380 = arith.constant 0 : i32
        %dma_start3A_381 = tpu.memref_slice %arg3[%dma_start3A_369, %squeeze3A_368, %dma_start3A_380] : memref<26x100001x32xf32, #tpu.memory_space<hbm>> -> memref<1x1x32xf32, #tpu.memory_space<hbm>>
        %dma_start3A_382 = tpu.memref_squeeze %dma_start3A_381 : memref<1x1x32xf32, #tpu.memory_space<hbm>> -> memref<32xf32, #tpu.memory_space<hbm>>
        tpu.enqueue_dma source(%dma_start3A_382 : memref<32xf32, #tpu.memory_space<hbm>>) target(%dma_start3A_379 : memref<32xf32, #tpu.memory_space<vmem>>) target_semaphore(%arg7 : memref<!tpu.dma_semaphore, #tpu.memory_space<semaphore_mem>>)
        %slice3A_383 = vector.extract_strided_slice %get3A_128 {offsets = [6], sizes = [1], strides = [1]} : vector<16xi32> to vector<1xi32>
        %squeeze3A_384 = vector.extract %slice3A_383[0] : i32 from vector<1xi32>
        %dma_start3A_385 = arith.constant 16 : i32
        %dma_start3A_386 = arith.constant 16 : i32
        %dma_start3A_387 = arith.constant 0 : i32
        %dma_start3A_388 = tpu.memref_slice %arg6[%select_n3A_66, %scan3A_119, %dma_start3A_386, %dma_start3A_387] : memref<2x8x26x32xf32, #tpu.memory_space<vmem>> -> memref<1x1x1x32xf32, #tpu.memory_space<vmem>>
        %dma_start3A_389 = tpu.memref_squeeze %dma_start3A_388 : memref<1x1x1x32xf32, #tpu.memory_space<vmem>> -> memref<32xf32, #tpu.memory_space<vmem>>
        %dma_start3A_390 = arith.constant 0 : i32
        %dma_start3A_391 = tpu.memref_slice %arg3[%dma_start3A_385, %squeeze3A_384, %dma_start3A_390] : memref<26x100001x32xf32, #tpu.memory_space<hbm>> -> memref<1x1x32xf32, #tpu.memory_space<hbm>>
        %dma_start3A_392 = tpu.memref_squeeze %dma_start3A_391 : memref<1x1x32xf32, #tpu.memory_space<hbm>> -> memref<32xf32, #tpu.memory_space<hbm>>
        %dma_start3A_393 = arith.constant 0 : i32
        %dma_start3A_394 = tpu.memref_slice %arg6[%select_n3A_66, %scan3A_119, %dma_start3A_386, %dma_start3A_393] : memref<2x8x26x32xf32, #tpu.memory_space<vmem>> -> memref<1x1x1x32xf32, #tpu.memory_space<vmem>>
        %dma_start3A_395 = tpu.memref_squeeze %dma_start3A_394 : memref<1x1x1x32xf32, #tpu.memory_space<vmem>> -> memref<32xf32, #tpu.memory_space<vmem>>
        %dma_start3A_396 = arith.constant 0 : i32
        %dma_start3A_397 = tpu.memref_slice %arg3[%dma_start3A_385, %squeeze3A_384, %dma_start3A_396] : memref<26x100001x32xf32, #tpu.memory_space<hbm>> -> memref<1x1x32xf32, #tpu.memory_space<hbm>>
        %dma_start3A_398 = tpu.memref_squeeze %dma_start3A_397 : memref<1x1x32xf32, #tpu.memory_space<hbm>> -> memref<32xf32, #tpu.memory_space<hbm>>
        tpu.enqueue_dma source(%dma_start3A_398 : memref<32xf32, #tpu.memory_space<hbm>>) target(%dma_start3A_395 : memref<32xf32, #tpu.memory_space<vmem>>) target_semaphore(%arg7 : memref<!tpu.dma_semaphore, #tpu.memory_space<semaphore_mem>>)
        %slice3A_399 = vector.extract_strided_slice %get3A_128 {offsets = [7], sizes = [1], strides = [1]} : vector<16xi32> to vector<1xi32>
        %squeeze3A_400 = vector.extract %slice3A_399[0] : i32 from vector<1xi32>
        %dma_start3A_401 = arith.constant 17 : i32
        %dma_start3A_402 = arith.constant 17 : i32
        %dma_start3A_403 = arith.constant 0 : i32
        %dma_start3A_404 = tpu.memref_slice %arg6[%select_n3A_66, %scan3A_119, %dma_start3A_402, %dma_start3A_403] : memref<2x8x26x32xf32, #tpu.memory_space<vmem>> -> memref<1x1x1x32xf32, #tpu.memory_space<vmem>>
        %dma_start3A_405 = tpu.memref_squeeze %dma_start3A_404 : memref<1x1x1x32xf32, #tpu.memory_space<vmem>> -> memref<32xf32, #tpu.memory_space<vmem>>
        %dma_start3A_406 = arith.constant 0 : i32
        %dma_start3A_407 = tpu.memref_slice %arg3[%dma_start3A_401, %squeeze3A_400, %dma_start3A_406] : memref<26x100001x32xf32, #tpu.memory_space<hbm>> -> memref<1x1x32xf32, #tpu.memory_space<hbm>>
        %dma_start3A_408 = tpu.memref_squeeze %dma_start3A_407 : memref<1x1x32xf32, #tpu.memory_space<hbm>> -> memref<32xf32, #tpu.memory_space<hbm>>
        %dma_start3A_409 = arith.constant 0 : i32
        %dma_start3A_410 = tpu.memref_slice %arg6[%select_n3A_66, %scan3A_119, %dma_start3A_402, %dma_start3A_409] : memref<2x8x26x32xf32, #tpu.memory_space<vmem>> -> memref<1x1x1x32xf32, #tpu.memory_space<vmem>>
        %dma_start3A_411 = tpu.memref_squeeze %dma_start3A_410 : memref<1x1x1x32xf32, #tpu.memory_space<vmem>> -> memref<32xf32, #tpu.memory_space<vmem>>
        %dma_start3A_412 = arith.constant 0 : i32
        %dma_start3A_413 = tpu.memref_slice %arg3[%dma_start3A_401, %squeeze3A_400, %dma_start3A_412] : memref<26x100001x32xf32, #tpu.memory_space<hbm>> -> memref<1x1x32xf32, #tpu.memory_space<hbm>>
        %dma_start3A_414 = tpu.memref_squeeze %dma_start3A_413 : memref<1x1x32xf32, #tpu.memory_space<hbm>> -> memref<32xf32, #tpu.memory_space<hbm>>
        tpu.enqueue_dma source(%dma_start3A_414 : memref<32xf32, #tpu.memory_space<hbm>>) target(%dma_start3A_411 : memref<32xf32, #tpu.memory_space<vmem>>) target_semaphore(%arg7 : memref<!tpu.dma_semaphore, #tpu.memory_space<semaphore_mem>>)
        %slice3A_415 = vector.extract_strided_slice %get3A_128 {offsets = [8], sizes = [1], strides = [1]} : vector<16xi32> to vector<1xi32>
        %squeeze3A_416 = vector.extract %slice3A_415[0] : i32 from vector<1xi32>
        %dma_start3A_417 = arith.constant 18 : i32
        %dma_start3A_418 = arith.constant 18 : i32
        %dma_start3A_419 = arith.constant 0 : i32
        %dma_start3A_420 = tpu.memref_slice %arg6[%select_n3A_66, %scan3A_119, %dma_start3A_418, %dma_start3A_419] : memref<2x8x26x32xf32, #tpu.memory_space<vmem>> -> memref<1x1x1x32xf32, #tpu.memory_space<vmem>>
        %dma_start3A_421 = tpu.memref_squeeze %dma_start3A_420 : memref<1x1x1x32xf32, #tpu.memory_space<vmem>> -> memref<32xf32, #tpu.memory_space<vmem>>
        %dma_start3A_422 = arith.constant 0 : i32
        %dma_start3A_423 = tpu.memref_slice %arg3[%dma_start3A_417, %squeeze3A_416, %dma_start3A_422] : memref<26x100001x32xf32, #tpu.memory_space<hbm>> -> memref<1x1x32xf32, #tpu.memory_space<hbm>>
        %dma_start3A_424 = tpu.memref_squeeze %dma_start3A_423 : memref<1x1x32xf32, #tpu.memory_space<hbm>> -> memref<32xf32, #tpu.memory_space<hbm>>
        %dma_start3A_425 = arith.constant 0 : i32
        %dma_start3A_426 = tpu.memref_slice %arg6[%select_n3A_66, %scan3A_119, %dma_start3A_418, %dma_start3A_425] : memref<2x8x26x32xf32, #tpu.memory_space<vmem>> -> memref<1x1x1x32xf32, #tpu.memory_space<vmem>>
        %dma_start3A_427 = tpu.memref_squeeze %dma_start3A_426 : memref<1x1x1x32xf32, #tpu.memory_space<vmem>> -> memref<32xf32, #tpu.memory_space<vmem>>
        %dma_start3A_428 = arith.constant 0 : i32
        %dma_start3A_429 = tpu.memref_slice %arg3[%dma_start3A_417, %squeeze3A_416, %dma_start3A_428] : memref<26x100001x32xf32, #tpu.memory_space<hbm>> -> memref<1x1x32xf32, #tpu.memory_space<hbm>>
        %dma_start3A_430 = tpu.memref_squeeze %dma_start3A_429 : memref<1x1x32xf32, #tpu.memory_space<hbm>> -> memref<32xf32, #tpu.memory_space<hbm>>
        tpu.enqueue_dma source(%dma_start3A_430 : memref<32xf32, #tpu.memory_space<hbm>>) target(%dma_start3A_427 : memref<32xf32, #tpu.memory_space<vmem>>) target_semaphore(%arg7 : memref<!tpu.dma_semaphore, #tpu.memory_space<semaphore_mem>>)
        %slice3A_431 = vector.extract_strided_slice %get3A_128 {offsets = [9], sizes = [1], strides = [1]} : vector<16xi32> to vector<1xi32>
        %squeeze3A_432 = vector.extract %slice3A_431[0] : i32 from vector<1xi32>
        %dma_start3A_433 = arith.constant 19 : i32
        %dma_start3A_434 = arith.constant 19 : i32
        %dma_start3A_435 = arith.constant 0 : i32
        %dma_start3A_436 = tpu.memref_slice %arg6[%select_n3A_66, %scan3A_119, %dma_start3A_434, %dma_start3A_435] : memref<2x8x26x32xf32, #tpu.memory_space<vmem>> -> memref<1x1x1x32xf32, #tpu.memory_space<vmem>>
        %dma_start3A_437 = tpu.memref_squeeze %dma_start3A_436 : memref<1x1x1x32xf32, #tpu.memory_space<vmem>> -> memref<32xf32, #tpu.memory_space<vmem>>
        %dma_start3A_438 = arith.constant 0 : i32
        %dma_start3A_439 = tpu.memref_slice %arg3[%dma_start3A_433, %squeeze3A_432, %dma_start3A_438] : memref<26x100001x32xf32, #tpu.memory_space<hbm>> -> memref<1x1x32xf32, #tpu.memory_space<hbm>>
        %dma_start3A_440 = tpu.memref_squeeze %dma_start3A_439 : memref<1x1x32xf32, #tpu.memory_space<hbm>> -> memref<32xf32, #tpu.memory_space<hbm>>
        %dma_start3A_441 = arith.constant 0 : i32
        %dma_start3A_442 = tpu.memref_slice %arg6[%select_n3A_66, %scan3A_119, %dma_start3A_434, %dma_start3A_441] : memref<2x8x26x32xf32, #tpu.memory_space<vmem>> -> memref<1x1x1x32xf32, #tpu.memory_space<vmem>>
        %dma_start3A_443 = tpu.memref_squeeze %dma_start3A_442 : memref<1x1x1x32xf32, #tpu.memory_space<vmem>> -> memref<32xf32, #tpu.memory_space<vmem>>
        %dma_start3A_444 = arith.constant 0 : i32
        %dma_start3A_445 = tpu.memref_slice %arg3[%dma_start3A_433, %squeeze3A_432, %dma_start3A_444] : memref<26x100001x32xf32, #tpu.memory_space<hbm>> -> memref<1x1x32xf32, #tpu.memory_space<hbm>>
        %dma_start3A_446 = tpu.memref_squeeze %dma_start3A_445 : memref<1x1x32xf32, #tpu.memory_space<hbm>> -> memref<32xf32, #tpu.memory_space<hbm>>
        tpu.enqueue_dma source(%dma_start3A_446 : memref<32xf32, #tpu.memory_space<hbm>>) target(%dma_start3A_443 : memref<32xf32, #tpu.memory_space<vmem>>) target_semaphore(%arg7 : memref<!tpu.dma_semaphore, #tpu.memory_space<semaphore_mem>>)
        %slice3A_447 = vector.extract_strided_slice %get3A_128 {offsets = [10], sizes = [1], strides = [1]} : vector<16xi32> to vector<1xi32>
        %squeeze3A_448 = vector.extract %slice3A_447[0] : i32 from vector<1xi32>
        %dma_start3A_449 = arith.constant 20 : i32
        %dma_start3A_450 = arith.constant 20 : i32
        %dma_start3A_451 = arith.constant 0 : i32
        %dma_start3A_452 = tpu.memref_slice %arg6[%select_n3A_66, %scan3A_119, %dma_start3A_450, %dma_start3A_451] : memref<2x8x26x32xf32, #tpu.memory_space<vmem>> -> memref<1x1x1x32xf32, #tpu.memory_space<vmem>>
        %dma_start3A_453 = tpu.memref_squeeze %dma_start3A_452 : memref<1x1x1x32xf32, #tpu.memory_space<vmem>> -> memref<32xf32, #tpu.memory_space<vmem>>
        %dma_start3A_454 = arith.constant 0 : i32
        %dma_start3A_455 = tpu.memref_slice %arg3[%dma_start3A_449, %squeeze3A_448, %dma_start3A_454] : memref<26x100001x32xf32, #tpu.memory_space<hbm>> -> memref<1x1x32xf32, #tpu.memory_space<hbm>>
        %dma_start3A_456 = tpu.memref_squeeze %dma_start3A_455 : memref<1x1x32xf32, #tpu.memory_space<hbm>> -> memref<32xf32, #tpu.memory_space<hbm>>
        %dma_start3A_457 = arith.constant 0 : i32
        %dma_start3A_458 = tpu.memref_slice %arg6[%select_n3A_66, %scan3A_119, %dma_start3A_450, %dma_start3A_457] : memref<2x8x26x32xf32, #tpu.memory_space<vmem>> -> memref<1x1x1x32xf32, #tpu.memory_space<vmem>>
        %dma_start3A_459 = tpu.memref_squeeze %dma_start3A_458 : memref<1x1x1x32xf32, #tpu.memory_space<vmem>> -> memref<32xf32, #tpu.memory_space<vmem>>
        %dma_start3A_460 = arith.constant 0 : i32
        %dma_start3A_461 = tpu.memref_slice %arg3[%dma_start3A_449, %squeeze3A_448, %dma_start3A_460] : memref<26x100001x32xf32, #tpu.memory_space<hbm>> -> memref<1x1x32xf32, #tpu.memory_space<hbm>>
        %dma_start3A_462 = tpu.memref_squeeze %dma_start3A_461 : memref<1x1x32xf32, #tpu.memory_space<hbm>> -> memref<32xf32, #tpu.memory_space<hbm>>
        tpu.enqueue_dma source(%dma_start3A_462 : memref<32xf32, #tpu.memory_space<hbm>>) target(%dma_start3A_459 : memref<32xf32, #tpu.memory_space<vmem>>) target_semaphore(%arg7 : memref<!tpu.dma_semaphore, #tpu.memory_space<semaphore_mem>>)
        %slice3A_463 = vector.extract_strided_slice %get3A_128 {offsets = [11], sizes = [1], strides = [1]} : vector<16xi32> to vector<1xi32>
        %squeeze3A_464 = vector.extract %slice3A_463[0] : i32 from vector<1xi32>
        %dma_start3A_465 = arith.constant 21 : i32
        %dma_start3A_466 = arith.constant 21 : i32
        %dma_start3A_467 = arith.constant 0 : i32
        %dma_start3A_468 = tpu.memref_slice %arg6[%select_n3A_66, %scan3A_119, %dma_start3A_466, %dma_start3A_467] : memref<2x8x26x32xf32, #tpu.memory_space<vmem>> -> memref<1x1x1x32xf32, #tpu.memory_space<vmem>>
        %dma_start3A_469 = tpu.memref_squeeze %dma_start3A_468 : memref<1x1x1x32xf32, #tpu.memory_space<vmem>> -> memref<32xf32, #tpu.memory_space<vmem>>
        %dma_start3A_470 = arith.constant 0 : i32
        %dma_start3A_471 = tpu.memref_slice %arg3[%dma_start3A_465, %squeeze3A_464, %dma_start3A_470] : memref<26x100001x32xf32, #tpu.memory_space<hbm>> -> memref<1x1x32xf32, #tpu.memory_space<hbm>>
        %dma_start3A_472 = tpu.memref_squeeze %dma_start3A_471 : memref<1x1x32xf32, #tpu.memory_space<hbm>> -> memref<32xf32, #tpu.memory_space<hbm>>
        %dma_start3A_473 = arith.constant 0 : i32
        %dma_start3A_474 = tpu.memref_slice %arg6[%select_n3A_66, %scan3A_119, %dma_start3A_466, %dma_start3A_473] : memref<2x8x26x32xf32, #tpu.memory_space<vmem>> -> memref<1x1x1x32xf32, #tpu.memory_space<vmem>>
        %dma_start3A_475 = tpu.memref_squeeze %dma_start3A_474 : memref<1x1x1x32xf32, #tpu.memory_space<vmem>> -> memref<32xf32, #tpu.memory_space<vmem>>
        %dma_start3A_476 = arith.constant 0 : i32
        %dma_start3A_477 = tpu.memref_slice %arg3[%dma_start3A_465, %squeeze3A_464, %dma_start3A_476] : memref<26x100001x32xf32, #tpu.memory_space<hbm>> -> memref<1x1x32xf32, #tpu.memory_space<hbm>>
        %dma_start3A_478 = tpu.memref_squeeze %dma_start3A_477 : memref<1x1x32xf32, #tpu.memory_space<hbm>> -> memref<32xf32, #tpu.memory_space<hbm>>
        tpu.enqueue_dma source(%dma_start3A_478 : memref<32xf32, #tpu.memory_space<hbm>>) target(%dma_start3A_475 : memref<32xf32, #tpu.memory_space<vmem>>) target_semaphore(%arg7 : memref<!tpu.dma_semaphore, #tpu.memory_space<semaphore_mem>>)
        %slice3A_479 = vector.extract_strided_slice %get3A_128 {offsets = [12], sizes = [1], strides = [1]} : vector<16xi32> to vector<1xi32>
        %squeeze3A_480 = vector.extract %slice3A_479[0] : i32 from vector<1xi32>
        %dma_start3A_481 = arith.constant 22 : i32
        %dma_start3A_482 = arith.constant 22 : i32
        %dma_start3A_483 = arith.constant 0 : i32
        %dma_start3A_484 = tpu.memref_slice %arg6[%select_n3A_66, %scan3A_119, %dma_start3A_482, %dma_start3A_483] : memref<2x8x26x32xf32, #tpu.memory_space<vmem>> -> memref<1x1x1x32xf32, #tpu.memory_space<vmem>>
        %dma_start3A_485 = tpu.memref_squeeze %dma_start3A_484 : memref<1x1x1x32xf32, #tpu.memory_space<vmem>> -> memref<32xf32, #tpu.memory_space<vmem>>
        %dma_start3A_486 = arith.constant 0 : i32
        %dma_start3A_487 = tpu.memref_slice %arg3[%dma_start3A_481, %squeeze3A_480, %dma_start3A_486] : memref<26x100001x32xf32, #tpu.memory_space<hbm>> -> memref<1x1x32xf32, #tpu.memory_space<hbm>>
        %dma_start3A_488 = tpu.memref_squeeze %dma_start3A_487 : memref<1x1x32xf32, #tpu.memory_space<hbm>> -> memref<32xf32, #tpu.memory_space<hbm>>
        %dma_start3A_489 = arith.constant 0 : i32
        %dma_start3A_490 = tpu.memref_slice %arg6[%select_n3A_66, %scan3A_119, %dma_start3A_482, %dma_start3A_489] : memref<2x8x26x32xf32, #tpu.memory_space<vmem>> -> memref<1x1x1x32xf32, #tpu.memory_space<vmem>>
        %dma_start3A_491 = tpu.memref_squeeze %dma_start3A_490 : memref<1x1x1x32xf32, #tpu.memory_space<vmem>> -> memref<32xf32, #tpu.memory_space<vmem>>
        %dma_start3A_492 = arith.constant 0 : i32
        %dma_start3A_493 = tpu.memref_slice %arg3[%dma_start3A_481, %squeeze3A_480, %dma_start3A_492] : memref<26x100001x32xf32, #tpu.memory_space<hbm>> -> memref<1x1x32xf32, #tpu.memory_space<hbm>>
        %dma_start3A_494 = tpu.memref_squeeze %dma_start3A_493 : memref<1x1x32xf32, #tpu.memory_space<hbm>> -> memref<32xf32, #tpu.memory_space<hbm>>
        tpu.enqueue_dma source(%dma_start3A_494 : memref<32xf32, #tpu.memory_space<hbm>>) target(%dma_start3A_491 : memref<32xf32, #tpu.memory_space<vmem>>) target_semaphore(%arg7 : memref<!tpu.dma_semaphore, #tpu.memory_space<semaphore_mem>>)
        %slice3A_495 = vector.extract_strided_slice %get3A_128 {offsets = [13], sizes = [1], strides = [1]} : vector<16xi32> to vector<1xi32>
        %squeeze3A_496 = vector.extract %slice3A_495[0] : i32 from vector<1xi32>
        %dma_start3A_497 = arith.constant 23 : i32
        %dma_start3A_498 = arith.constant 23 : i32
        %dma_start3A_499 = arith.constant 0 : i32
        %dma_start3A_500 = tpu.memref_slice %arg6[%select_n3A_66, %scan3A_119, %dma_start3A_498, %dma_start3A_499] : memref<2x8x26x32xf32, #tpu.memory_space<vmem>> -> memref<1x1x1x32xf32, #tpu.memory_space<vmem>>
        %dma_start3A_501 = tpu.memref_squeeze %dma_start3A_500 : memref<1x1x1x32xf32, #tpu.memory_space<vmem>> -> memref<32xf32, #tpu.memory_space<vmem>>
        %dma_start3A_502 = arith.constant 0 : i32
        %dma_start3A_503 = tpu.memref_slice %arg3[%dma_start3A_497, %squeeze3A_496, %dma_start3A_502] : memref<26x100001x32xf32, #tpu.memory_space<hbm>> -> memref<1x1x32xf32, #tpu.memory_space<hbm>>
        %dma_start3A_504 = tpu.memref_squeeze %dma_start3A_503 : memref<1x1x32xf32, #tpu.memory_space<hbm>> -> memref<32xf32, #tpu.memory_space<hbm>>
        %dma_start3A_505 = arith.constant 0 : i32
        %dma_start3A_506 = tpu.memref_slice %arg6[%select_n3A_66, %scan3A_119, %dma_start3A_498, %dma_start3A_505] : memref<2x8x26x32xf32, #tpu.memory_space<vmem>> -> memref<1x1x1x32xf32, #tpu.memory_space<vmem>>
        %dma_start3A_507 = tpu.memref_squeeze %dma_start3A_506 : memref<1x1x1x32xf32, #tpu.memory_space<vmem>> -> memref<32xf32, #tpu.memory_space<vmem>>
        %dma_start3A_508 = arith.constant 0 : i32
        %dma_start3A_509 = tpu.memref_slice %arg3[%dma_start3A_497, %squeeze3A_496, %dma_start3A_508] : memref<26x100001x32xf32, #tpu.memory_space<hbm>> -> memref<1x1x32xf32, #tpu.memory_space<hbm>>
        %dma_start3A_510 = tpu.memref_squeeze %dma_start3A_509 : memref<1x1x32xf32, #tpu.memory_space<hbm>> -> memref<32xf32, #tpu.memory_space<hbm>>
        tpu.enqueue_dma source(%dma_start3A_510 : memref<32xf32, #tpu.memory_space<hbm>>) target(%dma_start3A_507 : memref<32xf32, #tpu.memory_space<vmem>>) target_semaphore(%arg7 : memref<!tpu.dma_semaphore, #tpu.memory_space<semaphore_mem>>)
        %slice3A_511 = vector.extract_strided_slice %get3A_128 {offsets = [14], sizes = [1], strides = [1]} : vector<16xi32> to vector<1xi32>
        %squeeze3A_512 = vector.extract %slice3A_511[0] : i32 from vector<1xi32>
        %dma_start3A_513 = arith.constant 24 : i32
        %dma_start3A_514 = arith.constant 24 : i32
        %dma_start3A_515 = arith.constant 0 : i32
        %dma_start3A_516 = tpu.memref_slice %arg6[%select_n3A_66, %scan3A_119, %dma_start3A_514, %dma_start3A_515] : memref<2x8x26x32xf32, #tpu.memory_space<vmem>> -> memref<1x1x1x32xf32, #tpu.memory_space<vmem>>
        %dma_start3A_517 = tpu.memref_squeeze %dma_start3A_516 : memref<1x1x1x32xf32, #tpu.memory_space<vmem>> -> memref<32xf32, #tpu.memory_space<vmem>>
        %dma_start3A_518 = arith.constant 0 : i32
        %dma_start3A_519 = tpu.memref_slice %arg3[%dma_start3A_513, %squeeze3A_512, %dma_start3A_518] : memref<26x100001x32xf32, #tpu.memory_space<hbm>> -> memref<1x1x32xf32, #tpu.memory_space<hbm>>
        %dma_start3A_520 = tpu.memref_squeeze %dma_start3A_519 : memref<1x1x32xf32, #tpu.memory_space<hbm>> -> memref<32xf32, #tpu.memory_space<hbm>>
        %dma_start3A_521 = arith.constant 0 : i32
        %dma_start3A_522 = tpu.memref_slice %arg6[%select_n3A_66, %scan3A_119, %dma_start3A_514, %dma_start3A_521] : memref<2x8x26x32xf32, #tpu.memory_space<vmem>> -> memref<1x1x1x32xf32, #tpu.memory_space<vmem>>
        %dma_start3A_523 = tpu.memref_squeeze %dma_start3A_522 : memref<1x1x1x32xf32, #tpu.memory_space<vmem>> -> memref<32xf32, #tpu.memory_space<vmem>>
        %dma_start3A_524 = arith.constant 0 : i32
        %dma_start3A_525 = tpu.memref_slice %arg3[%dma_start3A_513, %squeeze3A_512, %dma_start3A_524] : memref<26x100001x32xf32, #tpu.memory_space<hbm>> -> memref<1x1x32xf32, #tpu.memory_space<hbm>>
        %dma_start3A_526 = tpu.memref_squeeze %dma_start3A_525 : memref<1x1x32xf32, #tpu.memory_space<hbm>> -> memref<32xf32, #tpu.memory_space<hbm>>
        tpu.enqueue_dma source(%dma_start3A_526 : memref<32xf32, #tpu.memory_space<hbm>>) target(%dma_start3A_523 : memref<32xf32, #tpu.memory_space<vmem>>) target_semaphore(%arg7 : memref<!tpu.dma_semaphore, #tpu.memory_space<semaphore_mem>>)
        %slice3A_527 = vector.extract_strided_slice %get3A_128 {offsets = [15], sizes = [1], strides = [1]} : vector<16xi32> to vector<1xi32>
        %squeeze3A_528 = vector.extract %slice3A_527[0] : i32 from vector<1xi32>
        %dma_start3A_529 = arith.constant 25 : i32
        %dma_start3A_530 = arith.constant 25 : i32
        %dma_start3A_531 = arith.constant 0 : i32
        %dma_start3A_532 = tpu.memref_slice %arg6[%select_n3A_66, %scan3A_119, %dma_start3A_530, %dma_start3A_531] : memref<2x8x26x32xf32, #tpu.memory_space<vmem>> -> memref<1x1x1x32xf32, #tpu.memory_space<vmem>>
        %dma_start3A_533 = tpu.memref_squeeze %dma_start3A_532 : memref<1x1x1x32xf32, #tpu.memory_space<vmem>> -> memref<32xf32, #tpu.memory_space<vmem>>
        %dma_start3A_534 = arith.constant 0 : i32
        %dma_start3A_535 = tpu.memref_slice %arg3[%dma_start3A_529, %squeeze3A_528, %dma_start3A_534] : memref<26x100001x32xf32, #tpu.memory_space<hbm>> -> memref<1x1x32xf32, #tpu.memory_space<hbm>>
        %dma_start3A_536 = tpu.memref_squeeze %dma_start3A_535 : memref<1x1x32xf32, #tpu.memory_space<hbm>> -> memref<32xf32, #tpu.memory_space<hbm>>
        %dma_start3A_537 = arith.constant 0 : i32
        %dma_start3A_538 = tpu.memref_slice %arg6[%select_n3A_66, %scan3A_119, %dma_start3A_530, %dma_start3A_537] : memref<2x8x26x32xf32, #tpu.memory_space<vmem>> -> memref<1x1x1x32xf32, #tpu.memory_space<vmem>>
        %dma_start3A_539 = tpu.memref_squeeze %dma_start3A_538 : memref<1x1x1x32xf32, #tpu.memory_space<vmem>> -> memref<32xf32, #tpu.memory_space<vmem>>
        %dma_start3A_540 = arith.constant 0 : i32
        %dma_start3A_541 = tpu.memref_slice %arg3[%dma_start3A_529, %squeeze3A_528, %dma_start3A_540] : memref<26x100001x32xf32, #tpu.memory_space<hbm>> -> memref<1x1x32xf32, #tpu.memory_space<hbm>>
        %dma_start3A_542 = tpu.memref_squeeze %dma_start3A_541 : memref<1x1x32xf32, #tpu.memory_space<hbm>> -> memref<32xf32, #tpu.memory_space<hbm>>
        tpu.enqueue_dma source(%dma_start3A_542 : memref<32xf32, #tpu.memory_space<hbm>>) target(%dma_start3A_539 : memref<32xf32, #tpu.memory_space<vmem>>) target_semaphore(%arg7 : memref<!tpu.dma_semaphore, #tpu.memory_space<semaphore_mem>>)
      }
      %scan3A_89 = arith.constant 8 : i32
      %add3A_90 = arith.constant 1 : i32
      %add3A_91 = arith.addi %scan3A_57, %add3A_90 : i32
      %lt3A_92 = arith.constant 64 : i32
      %lt3A_93 = arith.cmpi slt, %add3A_91, %lt3A_92 : i32
      %convert_element_type3A_94 = arith.extui %lt3A_93 : i1 to i32
      %cond3A_95 = arith.constant 0 : i32
      %cond3A_96 = arith.cmpi ne, %convert_element_type3A_94, %cond3A_95 : i32
      scf.if %cond3A_96 {
        %add3A_119 = arith.constant 8 : i32
        %add3A_120 = arith.addi %add3A_69, %add3A_119 : i32
        %sub3A = arith.constant 1 : i32
        %sub3A_121 = arith.subi %sub3A, %select_n3A_66 : i32
        %dma_start3A_122 = arith.constant 0 : i32
        %dma_start3A_123 = arith.constant 0 : i32
        %dma_start3A_124 = tpu.memref_slice %arg5[%sub3A_121, %dma_start3A_122, %dma_start3A_123] : memref<2x8x26xi32, #tpu.memory_space<vmem>> -> memref<1x8x26xi32, #tpu.memory_space<vmem>>
        %dma_start3A_125 = tpu.memref_squeeze %dma_start3A_124 : memref<1x8x26xi32, #tpu.memory_space<vmem>> -> memref<8x26xi32, #tpu.memory_space<vmem>>
        %dma_start3A_126 = arith.constant 0 : i32
        %dma_start3A_127 = tpu.memref_slice %arg2[%add3A_120, %dma_start3A_126] : memref<16384x26xi32, #tpu.memory_space<hbm>> -> memref<8x26xi32, #tpu.memory_space<hbm>>
        %dma_start3A_128 = arith.constant 0 : i32
        %dma_start3A_129 = arith.constant 0 : i32
        %dma_start3A_130 = tpu.memref_slice %arg5[%sub3A_121, %dma_start3A_128, %dma_start3A_129] : memref<2x8x26xi32, #tpu.memory_space<vmem>> -> memref<1x8x26xi32, #tpu.memory_space<vmem>>
        %dma_start3A_131 = tpu.memref_squeeze %dma_start3A_130 : memref<1x8x26xi32, #tpu.memory_space<vmem>> -> memref<8x26xi32, #tpu.memory_space<vmem>>
        %dma_start3A_132 = arith.constant 0 : i32
        %dma_start3A_133 = tpu.memref_slice %arg2[%add3A_120, %dma_start3A_132] : memref<16384x26xi32, #tpu.memory_space<hbm>> -> memref<8x26xi32, #tpu.memory_space<hbm>>
        tpu.enqueue_dma source(%dma_start3A_133 : memref<8x26xi32, #tpu.memory_space<hbm>>) target(%dma_start3A_131 : memref<8x26xi32, #tpu.memory_space<vmem>>) target_semaphore(%arg8 : memref<!tpu.dma_semaphore, #tpu.memory_space<semaphore_mem>>)
      } else {
      }
      %scan3A_97 = arith.constant 0 : i32
      %scan3A_98 = arith.constant 0 : i32
      %scan3A_99 = arith.constant 8 : i32
      %scan3A_100 = arith.addi %scan3A_98, %scan3A_99 : i32
      %scan3A_101 = arith.constant 1 : i32
      scf.for %scan3A_119 = %scan3A_98 to %scan3A_100 step %scan3A_101  : i32 {
        %dma_wait3A_120 = arith.constant 0 : i32
        %dma_wait3A_121 = arith.constant 0 : i32
        %dma_wait3A_122 = arith.constant 0 : i32
        %dma_wait3A_123 = arith.constant 0 : i32
        %dma_wait3A_124 = tpu.memref_slice %arg6[%select_n3A_66, %scan3A_119, %dma_wait3A_122, %dma_wait3A_123] : memref<2x8x26x32xf32, #tpu.memory_space<vmem>> -> memref<1x1x1x32xf32, #tpu.memory_space<vmem>>
        %dma_wait3A_125 = tpu.memref_squeeze %dma_wait3A_124 : memref<1x1x1x32xf32, #tpu.memory_space<vmem>> -> memref<32xf32, #tpu.memory_space<vmem>>
        %dma_wait3A_126 = arith.constant 0 : i32
        %dma_wait3A_127 = tpu.memref_slice %arg3[%dma_wait3A_120, %dma_wait3A_121, %dma_wait3A_126] : memref<26x100001x32xf32, #tpu.memory_space<hbm>> -> memref<1x1x32xf32, #tpu.memory_space<hbm>>
        %dma_wait3A_128 = tpu.memref_squeeze %dma_wait3A_127 : memref<1x1x32xf32, #tpu.memory_space<hbm>> -> memref<32xf32, #tpu.memory_space<hbm>>
        %dma_wait3A_129 = arith.constant 0 : i32
        %dma_wait3A_130 = tpu.memref_slice %arg6[%select_n3A_66, %scan3A_119, %dma_wait3A_122, %dma_wait3A_129] : memref<2x8x26x32xf32, #tpu.memory_space<vmem>> -> memref<1x1x1x32xf32, #tpu.memory_space<vmem>>
        %dma_wait3A_131 = tpu.memref_squeeze %dma_wait3A_130 : memref<1x1x1x32xf32, #tpu.memory_space<vmem>> -> memref<32xf32, #tpu.memory_space<vmem>>
        %dma_wait3A_132 = arith.constant 0 : i32
        %dma_wait3A_133 = tpu.memref_slice %arg3[%dma_wait3A_120, %dma_wait3A_121, %dma_wait3A_132] : memref<26x100001x32xf32, #tpu.memory_space<hbm>> -> memref<1x1x32xf32, #tpu.memory_space<hbm>>
        %dma_wait3A_134 = tpu.memref_squeeze %dma_wait3A_133 : memref<1x1x32xf32, #tpu.memory_space<hbm>> -> memref<32xf32, #tpu.memory_space<hbm>>
        tpu.wait_dma2 semaphore(%arg7 : memref<!tpu.dma_semaphore, #tpu.memory_space<semaphore_mem>>) src(%dma_wait3A_134 : memref<32xf32, #tpu.memory_space<hbm>>) dst(%dma_wait3A_131 : memref<32xf32, #tpu.memory_space<vmem>>)
        %dma_wait3A_135 = arith.constant 0 : i32
        %dma_wait3A_136 = arith.constant 0 : i32
        %dma_wait3A_137 = arith.constant 1 : i32
        %dma_wait3A_138 = arith.constant 0 : i32
        %dma_wait3A_139 = tpu.memref_slice %arg6[%select_n3A_66, %scan3A_119, %dma_wait3A_137, %dma_wait3A_138] : memref<2x8x26x32xf32, #tpu.memory_space<vmem>> -> memref<1x1x1x32xf32, #tpu.memory_space<vmem>>
        %dma_wait3A_140 = tpu.memref_squeeze %dma_wait3A_139 : memref<1x1x1x32xf32, #tpu.memory_space<vmem>> -> memref<32xf32, #tpu.memory_space<vmem>>
        %dma_wait3A_141 = arith.constant 0 : i32
        %dma_wait3A_142 = tpu.memref_slice %arg3[%dma_wait3A_135, %dma_wait3A_136, %dma_wait3A_141] : memref<26x100001x32xf32, #tpu.memory_space<hbm>> -> memref<1x1x32xf32, #tpu.memory_space<hbm>>
        %dma_wait3A_143 = tpu.memref_squeeze %dma_wait3A_142 : memref<1x1x32xf32, #tpu.memory_space<hbm>> -> memref<32xf32, #tpu.memory_space<hbm>>
        %dma_wait3A_144 = arith.constant 0 : i32
        %dma_wait3A_145 = tpu.memref_slice %arg6[%select_n3A_66, %scan3A_119, %dma_wait3A_137, %dma_wait3A_144] : memref<2x8x26x32xf32, #tpu.memory_space<vmem>> -> memref<1x1x1x32xf32, #tpu.memory_space<vmem>>
        %dma_wait3A_146 = tpu.memref_squeeze %dma_wait3A_145 : memref<1x1x1x32xf32, #tpu.memory_space<vmem>> -> memref<32xf32, #tpu.memory_space<vmem>>
        %dma_wait3A_147 = arith.constant 0 : i32
        %dma_wait3A_148 = tpu.memref_slice %arg3[%dma_wait3A_135, %dma_wait3A_136, %dma_wait3A_147] : memref<26x100001x32xf32, #tpu.memory_space<hbm>> -> memref<1x1x32xf32, #tpu.memory_space<hbm>>
        %dma_wait3A_149 = tpu.memref_squeeze %dma_wait3A_148 : memref<1x1x32xf32, #tpu.memory_space<hbm>> -> memref<32xf32, #tpu.memory_space<hbm>>
        tpu.wait_dma2 semaphore(%arg7 : memref<!tpu.dma_semaphore, #tpu.memory_space<semaphore_mem>>) src(%dma_wait3A_149 : memref<32xf32, #tpu.memory_space<hbm>>) dst(%dma_wait3A_146 : memref<32xf32, #tpu.memory_space<vmem>>)
        %dma_wait3A_150 = arith.constant 0 : i32
        %dma_wait3A_151 = arith.constant 0 : i32
        %dma_wait3A_152 = arith.constant 2 : i32
        %dma_wait3A_153 = arith.constant 0 : i32
        %dma_wait3A_154 = tpu.memref_slice %arg6[%select_n3A_66, %scan3A_119, %dma_wait3A_152, %dma_wait3A_153] : memref<2x8x26x32xf32, #tpu.memory_space<vmem>> -> memref<1x1x1x32xf32, #tpu.memory_space<vmem>>
        %dma_wait3A_155 = tpu.memref_squeeze %dma_wait3A_154 : memref<1x1x1x32xf32, #tpu.memory_space<vmem>> -> memref<32xf32, #tpu.memory_space<vmem>>
        %dma_wait3A_156 = arith.constant 0 : i32
        %dma_wait3A_157 = tpu.memref_slice %arg3[%dma_wait3A_150, %dma_wait3A_151, %dma_wait3A_156] : memref<26x100001x32xf32, #tpu.memory_space<hbm>> -> memref<1x1x32xf32, #tpu.memory_space<hbm>>
        %dma_wait3A_158 = tpu.memref_squeeze %dma_wait3A_157 : memref<1x1x32xf32, #tpu.memory_space<hbm>> -> memref<32xf32, #tpu.memory_space<hbm>>
        %dma_wait3A_159 = arith.constant 0 : i32
        %dma_wait3A_160 = tpu.memref_slice %arg6[%select_n3A_66, %scan3A_119, %dma_wait3A_152, %dma_wait3A_159] : memref<2x8x26x32xf32, #tpu.memory_space<vmem>> -> memref<1x1x1x32xf32, #tpu.memory_space<vmem>>
        %dma_wait3A_161 = tpu.memref_squeeze %dma_wait3A_160 : memref<1x1x1x32xf32, #tpu.memory_space<vmem>> -> memref<32xf32, #tpu.memory_space<vmem>>
        %dma_wait3A_162 = arith.constant 0 : i32
        %dma_wait3A_163 = tpu.memref_slice %arg3[%dma_wait3A_150, %dma_wait3A_151, %dma_wait3A_162] : memref<26x100001x32xf32, #tpu.memory_space<hbm>> -> memref<1x1x32xf32, #tpu.memory_space<hbm>>
        %dma_wait3A_164 = tpu.memref_squeeze %dma_wait3A_163 : memref<1x1x32xf32, #tpu.memory_space<hbm>> -> memref<32xf32, #tpu.memory_space<hbm>>
        tpu.wait_dma2 semaphore(%arg7 : memref<!tpu.dma_semaphore, #tpu.memory_space<semaphore_mem>>) src(%dma_wait3A_164 : memref<32xf32, #tpu.memory_space<hbm>>) dst(%dma_wait3A_161 : memref<32xf32, #tpu.memory_space<vmem>>)
        %dma_wait3A_165 = arith.constant 0 : i32
        %dma_wait3A_166 = arith.constant 0 : i32
        %dma_wait3A_167 = arith.constant 3 : i32
        %dma_wait3A_168 = arith.constant 0 : i32
        %dma_wait3A_169 = tpu.memref_slice %arg6[%select_n3A_66, %scan3A_119, %dma_wait3A_167, %dma_wait3A_168] : memref<2x8x26x32xf32, #tpu.memory_space<vmem>> -> memref<1x1x1x32xf32, #tpu.memory_space<vmem>>
        %dma_wait3A_170 = tpu.memref_squeeze %dma_wait3A_169 : memref<1x1x1x32xf32, #tpu.memory_space<vmem>> -> memref<32xf32, #tpu.memory_space<vmem>>
        %dma_wait3A_171 = arith.constant 0 : i32
        %dma_wait3A_172 = tpu.memref_slice %arg3[%dma_wait3A_165, %dma_wait3A_166, %dma_wait3A_171] : memref<26x100001x32xf32, #tpu.memory_space<hbm>> -> memref<1x1x32xf32, #tpu.memory_space<hbm>>
        %dma_wait3A_173 = tpu.memref_squeeze %dma_wait3A_172 : memref<1x1x32xf32, #tpu.memory_space<hbm>> -> memref<32xf32, #tpu.memory_space<hbm>>
        %dma_wait3A_174 = arith.constant 0 : i32
        %dma_wait3A_175 = tpu.memref_slice %arg6[%select_n3A_66, %scan3A_119, %dma_wait3A_167, %dma_wait3A_174] : memref<2x8x26x32xf32, #tpu.memory_space<vmem>> -> memref<1x1x1x32xf32, #tpu.memory_space<vmem>>
        %dma_wait3A_176 = tpu.memref_squeeze %dma_wait3A_175 : memref<1x1x1x32xf32, #tpu.memory_space<vmem>> -> memref<32xf32, #tpu.memory_space<vmem>>
        %dma_wait3A_177 = arith.constant 0 : i32
        %dma_wait3A_178 = tpu.memref_slice %arg3[%dma_wait3A_165, %dma_wait3A_166, %dma_wait3A_177] : memref<26x100001x32xf32, #tpu.memory_space<hbm>> -> memref<1x1x32xf32, #tpu.memory_space<hbm>>
        %dma_wait3A_179 = tpu.memref_squeeze %dma_wait3A_178 : memref<1x1x32xf32, #tpu.memory_space<hbm>> -> memref<32xf32, #tpu.memory_space<hbm>>
        tpu.wait_dma2 semaphore(%arg7 : memref<!tpu.dma_semaphore, #tpu.memory_space<semaphore_mem>>) src(%dma_wait3A_179 : memref<32xf32, #tpu.memory_space<hbm>>) dst(%dma_wait3A_176 : memref<32xf32, #tpu.memory_space<vmem>>)
        %dma_wait3A_180 = arith.constant 0 : i32
        %dma_wait3A_181 = arith.constant 0 : i32
        %dma_wait3A_182 = arith.constant 4 : i32
        %dma_wait3A_183 = arith.constant 0 : i32
        %dma_wait3A_184 = tpu.memref_slice %arg6[%select_n3A_66, %scan3A_119, %dma_wait3A_182, %dma_wait3A_183] : memref<2x8x26x32xf32, #tpu.memory_space<vmem>> -> memref<1x1x1x32xf32, #tpu.memory_space<vmem>>
        %dma_wait3A_185 = tpu.memref_squeeze %dma_wait3A_184 : memref<1x1x1x32xf32, #tpu.memory_space<vmem>> -> memref<32xf32, #tpu.memory_space<vmem>>
        %dma_wait3A_186 = arith.constant 0 : i32
        %dma_wait3A_187 = tpu.memref_slice %arg3[%dma_wait3A_180, %dma_wait3A_181, %dma_wait3A_186] : memref<26x100001x32xf32, #tpu.memory_space<hbm>> -> memref<1x1x32xf32, #tpu.memory_space<hbm>>
        %dma_wait3A_188 = tpu.memref_squeeze %dma_wait3A_187 : memref<1x1x32xf32, #tpu.memory_space<hbm>> -> memref<32xf32, #tpu.memory_space<hbm>>
        %dma_wait3A_189 = arith.constant 0 : i32
        %dma_wait3A_190 = tpu.memref_slice %arg6[%select_n3A_66, %scan3A_119, %dma_wait3A_182, %dma_wait3A_189] : memref<2x8x26x32xf32, #tpu.memory_space<vmem>> -> memref<1x1x1x32xf32, #tpu.memory_space<vmem>>
        %dma_wait3A_191 = tpu.memref_squeeze %dma_wait3A_190 : memref<1x1x1x32xf32, #tpu.memory_space<vmem>> -> memref<32xf32, #tpu.memory_space<vmem>>
        %dma_wait3A_192 = arith.constant 0 : i32
        %dma_wait3A_193 = tpu.memref_slice %arg3[%dma_wait3A_180, %dma_wait3A_181, %dma_wait3A_192] : memref<26x100001x32xf32, #tpu.memory_space<hbm>> -> memref<1x1x32xf32, #tpu.memory_space<hbm>>
        %dma_wait3A_194 = tpu.memref_squeeze %dma_wait3A_193 : memref<1x1x32xf32, #tpu.memory_space<hbm>> -> memref<32xf32, #tpu.memory_space<hbm>>
        tpu.wait_dma2 semaphore(%arg7 : memref<!tpu.dma_semaphore, #tpu.memory_space<semaphore_mem>>) src(%dma_wait3A_194 : memref<32xf32, #tpu.memory_space<hbm>>) dst(%dma_wait3A_191 : memref<32xf32, #tpu.memory_space<vmem>>)
        %dma_wait3A_195 = arith.constant 0 : i32
        %dma_wait3A_196 = arith.constant 0 : i32
        %dma_wait3A_197 = arith.constant 5 : i32
        %dma_wait3A_198 = arith.constant 0 : i32
        %dma_wait3A_199 = tpu.memref_slice %arg6[%select_n3A_66, %scan3A_119, %dma_wait3A_197, %dma_wait3A_198] : memref<2x8x26x32xf32, #tpu.memory_space<vmem>> -> memref<1x1x1x32xf32, #tpu.memory_space<vmem>>
        %dma_wait3A_200 = tpu.memref_squeeze %dma_wait3A_199 : memref<1x1x1x32xf32, #tpu.memory_space<vmem>> -> memref<32xf32, #tpu.memory_space<vmem>>
        %dma_wait3A_201 = arith.constant 0 : i32
        %dma_wait3A_202 = tpu.memref_slice %arg3[%dma_wait3A_195, %dma_wait3A_196, %dma_wait3A_201] : memref<26x100001x32xf32, #tpu.memory_space<hbm>> -> memref<1x1x32xf32, #tpu.memory_space<hbm>>
        %dma_wait3A_203 = tpu.memref_squeeze %dma_wait3A_202 : memref<1x1x32xf32, #tpu.memory_space<hbm>> -> memref<32xf32, #tpu.memory_space<hbm>>
        %dma_wait3A_204 = arith.constant 0 : i32
        %dma_wait3A_205 = tpu.memref_slice %arg6[%select_n3A_66, %scan3A_119, %dma_wait3A_197, %dma_wait3A_204] : memref<2x8x26x32xf32, #tpu.memory_space<vmem>> -> memref<1x1x1x32xf32, #tpu.memory_space<vmem>>
        %dma_wait3A_206 = tpu.memref_squeeze %dma_wait3A_205 : memref<1x1x1x32xf32, #tpu.memory_space<vmem>> -> memref<32xf32, #tpu.memory_space<vmem>>
        %dma_wait3A_207 = arith.constant 0 : i32
        %dma_wait3A_208 = tpu.memref_slice %arg3[%dma_wait3A_195, %dma_wait3A_196, %dma_wait3A_207] : memref<26x100001x32xf32, #tpu.memory_space<hbm>> -> memref<1x1x32xf32, #tpu.memory_space<hbm>>
        %dma_wait3A_209 = tpu.memref_squeeze %dma_wait3A_208 : memref<1x1x32xf32, #tpu.memory_space<hbm>> -> memref<32xf32, #tpu.memory_space<hbm>>
        tpu.wait_dma2 semaphore(%arg7 : memref<!tpu.dma_semaphore, #tpu.memory_space<semaphore_mem>>) src(%dma_wait3A_209 : memref<32xf32, #tpu.memory_space<hbm>>) dst(%dma_wait3A_206 : memref<32xf32, #tpu.memory_space<vmem>>)
        %dma_wait3A_210 = arith.constant 0 : i32
        %dma_wait3A_211 = arith.constant 0 : i32
        %dma_wait3A_212 = arith.constant 6 : i32
        %dma_wait3A_213 = arith.constant 0 : i32
        %dma_wait3A_214 = tpu.memref_slice %arg6[%select_n3A_66, %scan3A_119, %dma_wait3A_212, %dma_wait3A_213] : memref<2x8x26x32xf32, #tpu.memory_space<vmem>> -> memref<1x1x1x32xf32, #tpu.memory_space<vmem>>
        %dma_wait3A_215 = tpu.memref_squeeze %dma_wait3A_214 : memref<1x1x1x32xf32, #tpu.memory_space<vmem>> -> memref<32xf32, #tpu.memory_space<vmem>>
        %dma_wait3A_216 = arith.constant 0 : i32
        %dma_wait3A_217 = tpu.memref_slice %arg3[%dma_wait3A_210, %dma_wait3A_211, %dma_wait3A_216] : memref<26x100001x32xf32, #tpu.memory_space<hbm>> -> memref<1x1x32xf32, #tpu.memory_space<hbm>>
        %dma_wait3A_218 = tpu.memref_squeeze %dma_wait3A_217 : memref<1x1x32xf32, #tpu.memory_space<hbm>> -> memref<32xf32, #tpu.memory_space<hbm>>
        %dma_wait3A_219 = arith.constant 0 : i32
        %dma_wait3A_220 = tpu.memref_slice %arg6[%select_n3A_66, %scan3A_119, %dma_wait3A_212, %dma_wait3A_219] : memref<2x8x26x32xf32, #tpu.memory_space<vmem>> -> memref<1x1x1x32xf32, #tpu.memory_space<vmem>>
        %dma_wait3A_221 = tpu.memref_squeeze %dma_wait3A_220 : memref<1x1x1x32xf32, #tpu.memory_space<vmem>> -> memref<32xf32, #tpu.memory_space<vmem>>
        %dma_wait3A_222 = arith.constant 0 : i32
        %dma_wait3A_223 = tpu.memref_slice %arg3[%dma_wait3A_210, %dma_wait3A_211, %dma_wait3A_222] : memref<26x100001x32xf32, #tpu.memory_space<hbm>> -> memref<1x1x32xf32, #tpu.memory_space<hbm>>
        %dma_wait3A_224 = tpu.memref_squeeze %dma_wait3A_223 : memref<1x1x32xf32, #tpu.memory_space<hbm>> -> memref<32xf32, #tpu.memory_space<hbm>>
        tpu.wait_dma2 semaphore(%arg7 : memref<!tpu.dma_semaphore, #tpu.memory_space<semaphore_mem>>) src(%dma_wait3A_224 : memref<32xf32, #tpu.memory_space<hbm>>) dst(%dma_wait3A_221 : memref<32xf32, #tpu.memory_space<vmem>>)
        %dma_wait3A_225 = arith.constant 0 : i32
        %dma_wait3A_226 = arith.constant 0 : i32
        %dma_wait3A_227 = arith.constant 7 : i32
        %dma_wait3A_228 = arith.constant 0 : i32
        %dma_wait3A_229 = tpu.memref_slice %arg6[%select_n3A_66, %scan3A_119, %dma_wait3A_227, %dma_wait3A_228] : memref<2x8x26x32xf32, #tpu.memory_space<vmem>> -> memref<1x1x1x32xf32, #tpu.memory_space<vmem>>
        %dma_wait3A_230 = tpu.memref_squeeze %dma_wait3A_229 : memref<1x1x1x32xf32, #tpu.memory_space<vmem>> -> memref<32xf32, #tpu.memory_space<vmem>>
        %dma_wait3A_231 = arith.constant 0 : i32
        %dma_wait3A_232 = tpu.memref_slice %arg3[%dma_wait3A_225, %dma_wait3A_226, %dma_wait3A_231] : memref<26x100001x32xf32, #tpu.memory_space<hbm>> -> memref<1x1x32xf32, #tpu.memory_space<hbm>>
        %dma_wait3A_233 = tpu.memref_squeeze %dma_wait3A_232 : memref<1x1x32xf32, #tpu.memory_space<hbm>> -> memref<32xf32, #tpu.memory_space<hbm>>
        %dma_wait3A_234 = arith.constant 0 : i32
        %dma_wait3A_235 = tpu.memref_slice %arg6[%select_n3A_66, %scan3A_119, %dma_wait3A_227, %dma_wait3A_234] : memref<2x8x26x32xf32, #tpu.memory_space<vmem>> -> memref<1x1x1x32xf32, #tpu.memory_space<vmem>>
        %dma_wait3A_236 = tpu.memref_squeeze %dma_wait3A_235 : memref<1x1x1x32xf32, #tpu.memory_space<vmem>> -> memref<32xf32, #tpu.memory_space<vmem>>
        %dma_wait3A_237 = arith.constant 0 : i32
        %dma_wait3A_238 = tpu.memref_slice %arg3[%dma_wait3A_225, %dma_wait3A_226, %dma_wait3A_237] : memref<26x100001x32xf32, #tpu.memory_space<hbm>> -> memref<1x1x32xf32, #tpu.memory_space<hbm>>
        %dma_wait3A_239 = tpu.memref_squeeze %dma_wait3A_238 : memref<1x1x32xf32, #tpu.memory_space<hbm>> -> memref<32xf32, #tpu.memory_space<hbm>>
        tpu.wait_dma2 semaphore(%arg7 : memref<!tpu.dma_semaphore, #tpu.memory_space<semaphore_mem>>) src(%dma_wait3A_239 : memref<32xf32, #tpu.memory_space<hbm>>) dst(%dma_wait3A_236 : memref<32xf32, #tpu.memory_space<vmem>>)
        %dma_wait3A_240 = arith.constant 0 : i32
        %dma_wait3A_241 = arith.constant 0 : i32
        %dma_wait3A_242 = arith.constant 8 : i32
        %dma_wait3A_243 = arith.constant 0 : i32
        %dma_wait3A_244 = tpu.memref_slice %arg6[%select_n3A_66, %scan3A_119, %dma_wait3A_242, %dma_wait3A_243] : memref<2x8x26x32xf32, #tpu.memory_space<vmem>> -> memref<1x1x1x32xf32, #tpu.memory_space<vmem>>
        %dma_wait3A_245 = tpu.memref_squeeze %dma_wait3A_244 : memref<1x1x1x32xf32, #tpu.memory_space<vmem>> -> memref<32xf32, #tpu.memory_space<vmem>>
        %dma_wait3A_246 = arith.constant 0 : i32
        %dma_wait3A_247 = tpu.memref_slice %arg3[%dma_wait3A_240, %dma_wait3A_241, %dma_wait3A_246] : memref<26x100001x32xf32, #tpu.memory_space<hbm>> -> memref<1x1x32xf32, #tpu.memory_space<hbm>>
        %dma_wait3A_248 = tpu.memref_squeeze %dma_wait3A_247 : memref<1x1x32xf32, #tpu.memory_space<hbm>> -> memref<32xf32, #tpu.memory_space<hbm>>
        %dma_wait3A_249 = arith.constant 0 : i32
        %dma_wait3A_250 = tpu.memref_slice %arg6[%select_n3A_66, %scan3A_119, %dma_wait3A_242, %dma_wait3A_249] : memref<2x8x26x32xf32, #tpu.memory_space<vmem>> -> memref<1x1x1x32xf32, #tpu.memory_space<vmem>>
        %dma_wait3A_251 = tpu.memref_squeeze %dma_wait3A_250 : memref<1x1x1x32xf32, #tpu.memory_space<vmem>> -> memref<32xf32, #tpu.memory_space<vmem>>
        %dma_wait3A_252 = arith.constant 0 : i32
        %dma_wait3A_253 = tpu.memref_slice %arg3[%dma_wait3A_240, %dma_wait3A_241, %dma_wait3A_252] : memref<26x100001x32xf32, #tpu.memory_space<hbm>> -> memref<1x1x32xf32, #tpu.memory_space<hbm>>
        %dma_wait3A_254 = tpu.memref_squeeze %dma_wait3A_253 : memref<1x1x32xf32, #tpu.memory_space<hbm>> -> memref<32xf32, #tpu.memory_space<hbm>>
        tpu.wait_dma2 semaphore(%arg7 : memref<!tpu.dma_semaphore, #tpu.memory_space<semaphore_mem>>) src(%dma_wait3A_254 : memref<32xf32, #tpu.memory_space<hbm>>) dst(%dma_wait3A_251 : memref<32xf32, #tpu.memory_space<vmem>>)
        %dma_wait3A_255 = arith.constant 0 : i32
        %dma_wait3A_256 = arith.constant 0 : i32
        %dma_wait3A_257 = arith.constant 9 : i32
        %dma_wait3A_258 = arith.constant 0 : i32
        %dma_wait3A_259 = tpu.memref_slice %arg6[%select_n3A_66, %scan3A_119, %dma_wait3A_257, %dma_wait3A_258] : memref<2x8x26x32xf32, #tpu.memory_space<vmem>> -> memref<1x1x1x32xf32, #tpu.memory_space<vmem>>
        %dma_wait3A_260 = tpu.memref_squeeze %dma_wait3A_259 : memref<1x1x1x32xf32, #tpu.memory_space<vmem>> -> memref<32xf32, #tpu.memory_space<vmem>>
        %dma_wait3A_261 = arith.constant 0 : i32
        %dma_wait3A_262 = tpu.memref_slice %arg3[%dma_wait3A_255, %dma_wait3A_256, %dma_wait3A_261] : memref<26x100001x32xf32, #tpu.memory_space<hbm>> -> memref<1x1x32xf32, #tpu.memory_space<hbm>>
        %dma_wait3A_263 = tpu.memref_squeeze %dma_wait3A_262 : memref<1x1x32xf32, #tpu.memory_space<hbm>> -> memref<32xf32, #tpu.memory_space<hbm>>
        %dma_wait3A_264 = arith.constant 0 : i32
        %dma_wait3A_265 = tpu.memref_slice %arg6[%select_n3A_66, %scan3A_119, %dma_wait3A_257, %dma_wait3A_264] : memref<2x8x26x32xf32, #tpu.memory_space<vmem>> -> memref<1x1x1x32xf32, #tpu.memory_space<vmem>>
        %dma_wait3A_266 = tpu.memref_squeeze %dma_wait3A_265 : memref<1x1x1x32xf32, #tpu.memory_space<vmem>> -> memref<32xf32, #tpu.memory_space<vmem>>
        %dma_wait3A_267 = arith.constant 0 : i32
        %dma_wait3A_268 = tpu.memref_slice %arg3[%dma_wait3A_255, %dma_wait3A_256, %dma_wait3A_267] : memref<26x100001x32xf32, #tpu.memory_space<hbm>> -> memref<1x1x32xf32, #tpu.memory_space<hbm>>
        %dma_wait3A_269 = tpu.memref_squeeze %dma_wait3A_268 : memref<1x1x32xf32, #tpu.memory_space<hbm>> -> memref<32xf32, #tpu.memory_space<hbm>>
        tpu.wait_dma2 semaphore(%arg7 : memref<!tpu.dma_semaphore, #tpu.memory_space<semaphore_mem>>) src(%dma_wait3A_269 : memref<32xf32, #tpu.memory_space<hbm>>) dst(%dma_wait3A_266 : memref<32xf32, #tpu.memory_space<vmem>>)
        %dma_wait3A_270 = arith.constant 0 : i32
        %dma_wait3A_271 = arith.constant 0 : i32
        %dma_wait3A_272 = arith.constant 10 : i32
        %dma_wait3A_273 = arith.constant 0 : i32
        %dma_wait3A_274 = tpu.memref_slice %arg6[%select_n3A_66, %scan3A_119, %dma_wait3A_272, %dma_wait3A_273] : memref<2x8x26x32xf32, #tpu.memory_space<vmem>> -> memref<1x1x1x32xf32, #tpu.memory_space<vmem>>
        %dma_wait3A_275 = tpu.memref_squeeze %dma_wait3A_274 : memref<1x1x1x32xf32, #tpu.memory_space<vmem>> -> memref<32xf32, #tpu.memory_space<vmem>>
        %dma_wait3A_276 = arith.constant 0 : i32
        %dma_wait3A_277 = tpu.memref_slice %arg3[%dma_wait3A_270, %dma_wait3A_271, %dma_wait3A_276] : memref<26x100001x32xf32, #tpu.memory_space<hbm>> -> memref<1x1x32xf32, #tpu.memory_space<hbm>>
        %dma_wait3A_278 = tpu.memref_squeeze %dma_wait3A_277 : memref<1x1x32xf32, #tpu.memory_space<hbm>> -> memref<32xf32, #tpu.memory_space<hbm>>
        %dma_wait3A_279 = arith.constant 0 : i32
        %dma_wait3A_280 = tpu.memref_slice %arg6[%select_n3A_66, %scan3A_119, %dma_wait3A_272, %dma_wait3A_279] : memref<2x8x26x32xf32, #tpu.memory_space<vmem>> -> memref<1x1x1x32xf32, #tpu.memory_space<vmem>>
        %dma_wait3A_281 = tpu.memref_squeeze %dma_wait3A_280 : memref<1x1x1x32xf32, #tpu.memory_space<vmem>> -> memref<32xf32, #tpu.memory_space<vmem>>
        %dma_wait3A_282 = arith.constant 0 : i32
        %dma_wait3A_283 = tpu.memref_slice %arg3[%dma_wait3A_270, %dma_wait3A_271, %dma_wait3A_282] : memref<26x100001x32xf32, #tpu.memory_space<hbm>> -> memref<1x1x32xf32, #tpu.memory_space<hbm>>
        %dma_wait3A_284 = tpu.memref_squeeze %dma_wait3A_283 : memref<1x1x32xf32, #tpu.memory_space<hbm>> -> memref<32xf32, #tpu.memory_space<hbm>>
        tpu.wait_dma2 semaphore(%arg7 : memref<!tpu.dma_semaphore, #tpu.memory_space<semaphore_mem>>) src(%dma_wait3A_284 : memref<32xf32, #tpu.memory_space<hbm>>) dst(%dma_wait3A_281 : memref<32xf32, #tpu.memory_space<vmem>>)
        %dma_wait3A_285 = arith.constant 0 : i32
        %dma_wait3A_286 = arith.constant 0 : i32
        %dma_wait3A_287 = arith.constant 11 : i32
        %dma_wait3A_288 = arith.constant 0 : i32
        %dma_wait3A_289 = tpu.memref_slice %arg6[%select_n3A_66, %scan3A_119, %dma_wait3A_287, %dma_wait3A_288] : memref<2x8x26x32xf32, #tpu.memory_space<vmem>> -> memref<1x1x1x32xf32, #tpu.memory_space<vmem>>
        %dma_wait3A_290 = tpu.memref_squeeze %dma_wait3A_289 : memref<1x1x1x32xf32, #tpu.memory_space<vmem>> -> memref<32xf32, #tpu.memory_space<vmem>>
        %dma_wait3A_291 = arith.constant 0 : i32
        %dma_wait3A_292 = tpu.memref_slice %arg3[%dma_wait3A_285, %dma_wait3A_286, %dma_wait3A_291] : memref<26x100001x32xf32, #tpu.memory_space<hbm>> -> memref<1x1x32xf32, #tpu.memory_space<hbm>>
        %dma_wait3A_293 = tpu.memref_squeeze %dma_wait3A_292 : memref<1x1x32xf32, #tpu.memory_space<hbm>> -> memref<32xf32, #tpu.memory_space<hbm>>
        %dma_wait3A_294 = arith.constant 0 : i32
        %dma_wait3A_295 = tpu.memref_slice %arg6[%select_n3A_66, %scan3A_119, %dma_wait3A_287, %dma_wait3A_294] : memref<2x8x26x32xf32, #tpu.memory_space<vmem>> -> memref<1x1x1x32xf32, #tpu.memory_space<vmem>>
        %dma_wait3A_296 = tpu.memref_squeeze %dma_wait3A_295 : memref<1x1x1x32xf32, #tpu.memory_space<vmem>> -> memref<32xf32, #tpu.memory_space<vmem>>
        %dma_wait3A_297 = arith.constant 0 : i32
        %dma_wait3A_298 = tpu.memref_slice %arg3[%dma_wait3A_285, %dma_wait3A_286, %dma_wait3A_297] : memref<26x100001x32xf32, #tpu.memory_space<hbm>> -> memref<1x1x32xf32, #tpu.memory_space<hbm>>
        %dma_wait3A_299 = tpu.memref_squeeze %dma_wait3A_298 : memref<1x1x32xf32, #tpu.memory_space<hbm>> -> memref<32xf32, #tpu.memory_space<hbm>>
        tpu.wait_dma2 semaphore(%arg7 : memref<!tpu.dma_semaphore, #tpu.memory_space<semaphore_mem>>) src(%dma_wait3A_299 : memref<32xf32, #tpu.memory_space<hbm>>) dst(%dma_wait3A_296 : memref<32xf32, #tpu.memory_space<vmem>>)
        %dma_wait3A_300 = arith.constant 0 : i32
        %dma_wait3A_301 = arith.constant 0 : i32
        %dma_wait3A_302 = arith.constant 12 : i32
        %dma_wait3A_303 = arith.constant 0 : i32
        %dma_wait3A_304 = tpu.memref_slice %arg6[%select_n3A_66, %scan3A_119, %dma_wait3A_302, %dma_wait3A_303] : memref<2x8x26x32xf32, #tpu.memory_space<vmem>> -> memref<1x1x1x32xf32, #tpu.memory_space<vmem>>
        %dma_wait3A_305 = tpu.memref_squeeze %dma_wait3A_304 : memref<1x1x1x32xf32, #tpu.memory_space<vmem>> -> memref<32xf32, #tpu.memory_space<vmem>>
        %dma_wait3A_306 = arith.constant 0 : i32
        %dma_wait3A_307 = tpu.memref_slice %arg3[%dma_wait3A_300, %dma_wait3A_301, %dma_wait3A_306] : memref<26x100001x32xf32, #tpu.memory_space<hbm>> -> memref<1x1x32xf32, #tpu.memory_space<hbm>>
        %dma_wait3A_308 = tpu.memref_squeeze %dma_wait3A_307 : memref<1x1x32xf32, #tpu.memory_space<hbm>> -> memref<32xf32, #tpu.memory_space<hbm>>
        %dma_wait3A_309 = arith.constant 0 : i32
        %dma_wait3A_310 = tpu.memref_slice %arg6[%select_n3A_66, %scan3A_119, %dma_wait3A_302, %dma_wait3A_309] : memref<2x8x26x32xf32, #tpu.memory_space<vmem>> -> memref<1x1x1x32xf32, #tpu.memory_space<vmem>>
        %dma_wait3A_311 = tpu.memref_squeeze %dma_wait3A_310 : memref<1x1x1x32xf32, #tpu.memory_space<vmem>> -> memref<32xf32, #tpu.memory_space<vmem>>
        %dma_wait3A_312 = arith.constant 0 : i32
        %dma_wait3A_313 = tpu.memref_slice %arg3[%dma_wait3A_300, %dma_wait3A_301, %dma_wait3A_312] : memref<26x100001x32xf32, #tpu.memory_space<hbm>> -> memref<1x1x32xf32, #tpu.memory_space<hbm>>
        %dma_wait3A_314 = tpu.memref_squeeze %dma_wait3A_313 : memref<1x1x32xf32, #tpu.memory_space<hbm>> -> memref<32xf32, #tpu.memory_space<hbm>>
        tpu.wait_dma2 semaphore(%arg7 : memref<!tpu.dma_semaphore, #tpu.memory_space<semaphore_mem>>) src(%dma_wait3A_314 : memref<32xf32, #tpu.memory_space<hbm>>) dst(%dma_wait3A_311 : memref<32xf32, #tpu.memory_space<vmem>>)
        %dma_wait3A_315 = arith.constant 0 : i32
        %dma_wait3A_316 = arith.constant 0 : i32
        %dma_wait3A_317 = arith.constant 13 : i32
        %dma_wait3A_318 = arith.constant 0 : i32
        %dma_wait3A_319 = tpu.memref_slice %arg6[%select_n3A_66, %scan3A_119, %dma_wait3A_317, %dma_wait3A_318] : memref<2x8x26x32xf32, #tpu.memory_space<vmem>> -> memref<1x1x1x32xf32, #tpu.memory_space<vmem>>
        %dma_wait3A_320 = tpu.memref_squeeze %dma_wait3A_319 : memref<1x1x1x32xf32, #tpu.memory_space<vmem>> -> memref<32xf32, #tpu.memory_space<vmem>>
        %dma_wait3A_321 = arith.constant 0 : i32
        %dma_wait3A_322 = tpu.memref_slice %arg3[%dma_wait3A_315, %dma_wait3A_316, %dma_wait3A_321] : memref<26x100001x32xf32, #tpu.memory_space<hbm>> -> memref<1x1x32xf32, #tpu.memory_space<hbm>>
        %dma_wait3A_323 = tpu.memref_squeeze %dma_wait3A_322 : memref<1x1x32xf32, #tpu.memory_space<hbm>> -> memref<32xf32, #tpu.memory_space<hbm>>
        %dma_wait3A_324 = arith.constant 0 : i32
        %dma_wait3A_325 = tpu.memref_slice %arg6[%select_n3A_66, %scan3A_119, %dma_wait3A_317, %dma_wait3A_324] : memref<2x8x26x32xf32, #tpu.memory_space<vmem>> -> memref<1x1x1x32xf32, #tpu.memory_space<vmem>>
        %dma_wait3A_326 = tpu.memref_squeeze %dma_wait3A_325 : memref<1x1x1x32xf32, #tpu.memory_space<vmem>> -> memref<32xf32, #tpu.memory_space<vmem>>
        %dma_wait3A_327 = arith.constant 0 : i32
        %dma_wait3A_328 = tpu.memref_slice %arg3[%dma_wait3A_315, %dma_wait3A_316, %dma_wait3A_327] : memref<26x100001x32xf32, #tpu.memory_space<hbm>> -> memref<1x1x32xf32, #tpu.memory_space<hbm>>
        %dma_wait3A_329 = tpu.memref_squeeze %dma_wait3A_328 : memref<1x1x32xf32, #tpu.memory_space<hbm>> -> memref<32xf32, #tpu.memory_space<hbm>>
        tpu.wait_dma2 semaphore(%arg7 : memref<!tpu.dma_semaphore, #tpu.memory_space<semaphore_mem>>) src(%dma_wait3A_329 : memref<32xf32, #tpu.memory_space<hbm>>) dst(%dma_wait3A_326 : memref<32xf32, #tpu.memory_space<vmem>>)
        %dma_wait3A_330 = arith.constant 0 : i32
        %dma_wait3A_331 = arith.constant 0 : i32
        %dma_wait3A_332 = arith.constant 14 : i32
        %dma_wait3A_333 = arith.constant 0 : i32
        %dma_wait3A_334 = tpu.memref_slice %arg6[%select_n3A_66, %scan3A_119, %dma_wait3A_332, %dma_wait3A_333] : memref<2x8x26x32xf32, #tpu.memory_space<vmem>> -> memref<1x1x1x32xf32, #tpu.memory_space<vmem>>
        %dma_wait3A_335 = tpu.memref_squeeze %dma_wait3A_334 : memref<1x1x1x32xf32, #tpu.memory_space<vmem>> -> memref<32xf32, #tpu.memory_space<vmem>>
        %dma_wait3A_336 = arith.constant 0 : i32
        %dma_wait3A_337 = tpu.memref_slice %arg3[%dma_wait3A_330, %dma_wait3A_331, %dma_wait3A_336] : memref<26x100001x32xf32, #tpu.memory_space<hbm>> -> memref<1x1x32xf32, #tpu.memory_space<hbm>>
        %dma_wait3A_338 = tpu.memref_squeeze %dma_wait3A_337 : memref<1x1x32xf32, #tpu.memory_space<hbm>> -> memref<32xf32, #tpu.memory_space<hbm>>
        %dma_wait3A_339 = arith.constant 0 : i32
        %dma_wait3A_340 = tpu.memref_slice %arg6[%select_n3A_66, %scan3A_119, %dma_wait3A_332, %dma_wait3A_339] : memref<2x8x26x32xf32, #tpu.memory_space<vmem>> -> memref<1x1x1x32xf32, #tpu.memory_space<vmem>>
        %dma_wait3A_341 = tpu.memref_squeeze %dma_wait3A_340 : memref<1x1x1x32xf32, #tpu.memory_space<vmem>> -> memref<32xf32, #tpu.memory_space<vmem>>
        %dma_wait3A_342 = arith.constant 0 : i32
        %dma_wait3A_343 = tpu.memref_slice %arg3[%dma_wait3A_330, %dma_wait3A_331, %dma_wait3A_342] : memref<26x100001x32xf32, #tpu.memory_space<hbm>> -> memref<1x1x32xf32, #tpu.memory_space<hbm>>
        %dma_wait3A_344 = tpu.memref_squeeze %dma_wait3A_343 : memref<1x1x32xf32, #tpu.memory_space<hbm>> -> memref<32xf32, #tpu.memory_space<hbm>>
        tpu.wait_dma2 semaphore(%arg7 : memref<!tpu.dma_semaphore, #tpu.memory_space<semaphore_mem>>) src(%dma_wait3A_344 : memref<32xf32, #tpu.memory_space<hbm>>) dst(%dma_wait3A_341 : memref<32xf32, #tpu.memory_space<vmem>>)
        %dma_wait3A_345 = arith.constant 0 : i32
        %dma_wait3A_346 = arith.constant 0 : i32
        %dma_wait3A_347 = arith.constant 15 : i32
        %dma_wait3A_348 = arith.constant 0 : i32
        %dma_wait3A_349 = tpu.memref_slice %arg6[%select_n3A_66, %scan3A_119, %dma_wait3A_347, %dma_wait3A_348] : memref<2x8x26x32xf32, #tpu.memory_space<vmem>> -> memref<1x1x1x32xf32, #tpu.memory_space<vmem>>
        %dma_wait3A_350 = tpu.memref_squeeze %dma_wait3A_349 : memref<1x1x1x32xf32, #tpu.memory_space<vmem>> -> memref<32xf32, #tpu.memory_space<vmem>>
        %dma_wait3A_351 = arith.constant 0 : i32
        %dma_wait3A_352 = tpu.memref_slice %arg3[%dma_wait3A_345, %dma_wait3A_346, %dma_wait3A_351] : memref<26x100001x32xf32, #tpu.memory_space<hbm>> -> memref<1x1x32xf32, #tpu.memory_space<hbm>>
        %dma_wait3A_353 = tpu.memref_squeeze %dma_wait3A_352 : memref<1x1x32xf32, #tpu.memory_space<hbm>> -> memref<32xf32, #tpu.memory_space<hbm>>
        %dma_wait3A_354 = arith.constant 0 : i32
        %dma_wait3A_355 = tpu.memref_slice %arg6[%select_n3A_66, %scan3A_119, %dma_wait3A_347, %dma_wait3A_354] : memref<2x8x26x32xf32, #tpu.memory_space<vmem>> -> memref<1x1x1x32xf32, #tpu.memory_space<vmem>>
        %dma_wait3A_356 = tpu.memref_squeeze %dma_wait3A_355 : memref<1x1x1x32xf32, #tpu.memory_space<vmem>> -> memref<32xf32, #tpu.memory_space<vmem>>
        %dma_wait3A_357 = arith.constant 0 : i32
        %dma_wait3A_358 = tpu.memref_slice %arg3[%dma_wait3A_345, %dma_wait3A_346, %dma_wait3A_357] : memref<26x100001x32xf32, #tpu.memory_space<hbm>> -> memref<1x1x32xf32, #tpu.memory_space<hbm>>
        %dma_wait3A_359 = tpu.memref_squeeze %dma_wait3A_358 : memref<1x1x32xf32, #tpu.memory_space<hbm>> -> memref<32xf32, #tpu.memory_space<hbm>>
        tpu.wait_dma2 semaphore(%arg7 : memref<!tpu.dma_semaphore, #tpu.memory_space<semaphore_mem>>) src(%dma_wait3A_359 : memref<32xf32, #tpu.memory_space<hbm>>) dst(%dma_wait3A_356 : memref<32xf32, #tpu.memory_space<vmem>>)
        %dma_wait3A_360 = arith.constant 0 : i32
        %dma_wait3A_361 = arith.constant 0 : i32
        %dma_wait3A_362 = arith.constant 16 : i32
        %dma_wait3A_363 = arith.constant 0 : i32
        %dma_wait3A_364 = tpu.memref_slice %arg6[%select_n3A_66, %scan3A_119, %dma_wait3A_362, %dma_wait3A_363] : memref<2x8x26x32xf32, #tpu.memory_space<vmem>> -> memref<1x1x1x32xf32, #tpu.memory_space<vmem>>
        %dma_wait3A_365 = tpu.memref_squeeze %dma_wait3A_364 : memref<1x1x1x32xf32, #tpu.memory_space<vmem>> -> memref<32xf32, #tpu.memory_space<vmem>>
        %dma_wait3A_366 = arith.constant 0 : i32
        %dma_wait3A_367 = tpu.memref_slice %arg3[%dma_wait3A_360, %dma_wait3A_361, %dma_wait3A_366] : memref<26x100001x32xf32, #tpu.memory_space<hbm>> -> memref<1x1x32xf32, #tpu.memory_space<hbm>>
        %dma_wait3A_368 = tpu.memref_squeeze %dma_wait3A_367 : memref<1x1x32xf32, #tpu.memory_space<hbm>> -> memref<32xf32, #tpu.memory_space<hbm>>
        %dma_wait3A_369 = arith.constant 0 : i32
        %dma_wait3A_370 = tpu.memref_slice %arg6[%select_n3A_66, %scan3A_119, %dma_wait3A_362, %dma_wait3A_369] : memref<2x8x26x32xf32, #tpu.memory_space<vmem>> -> memref<1x1x1x32xf32, #tpu.memory_space<vmem>>
        %dma_wait3A_371 = tpu.memref_squeeze %dma_wait3A_370 : memref<1x1x1x32xf32, #tpu.memory_space<vmem>> -> memref<32xf32, #tpu.memory_space<vmem>>
        %dma_wait3A_372 = arith.constant 0 : i32
        %dma_wait3A_373 = tpu.memref_slice %arg3[%dma_wait3A_360, %dma_wait3A_361, %dma_wait3A_372] : memref<26x100001x32xf32, #tpu.memory_space<hbm>> -> memref<1x1x32xf32, #tpu.memory_space<hbm>>
        %dma_wait3A_374 = tpu.memref_squeeze %dma_wait3A_373 : memref<1x1x32xf32, #tpu.memory_space<hbm>> -> memref<32xf32, #tpu.memory_space<hbm>>
        tpu.wait_dma2 semaphore(%arg7 : memref<!tpu.dma_semaphore, #tpu.memory_space<semaphore_mem>>) src(%dma_wait3A_374 : memref<32xf32, #tpu.memory_space<hbm>>) dst(%dma_wait3A_371 : memref<32xf32, #tpu.memory_space<vmem>>)
        %dma_wait3A_375 = arith.constant 0 : i32
        %dma_wait3A_376 = arith.constant 0 : i32
        %dma_wait3A_377 = arith.constant 17 : i32
        %dma_wait3A_378 = arith.constant 0 : i32
        %dma_wait3A_379 = tpu.memref_slice %arg6[%select_n3A_66, %scan3A_119, %dma_wait3A_377, %dma_wait3A_378] : memref<2x8x26x32xf32, #tpu.memory_space<vmem>> -> memref<1x1x1x32xf32, #tpu.memory_space<vmem>>
        %dma_wait3A_380 = tpu.memref_squeeze %dma_wait3A_379 : memref<1x1x1x32xf32, #tpu.memory_space<vmem>> -> memref<32xf32, #tpu.memory_space<vmem>>
        %dma_wait3A_381 = arith.constant 0 : i32
        %dma_wait3A_382 = tpu.memref_slice %arg3[%dma_wait3A_375, %dma_wait3A_376, %dma_wait3A_381] : memref<26x100001x32xf32, #tpu.memory_space<hbm>> -> memref<1x1x32xf32, #tpu.memory_space<hbm>>
        %dma_wait3A_383 = tpu.memref_squeeze %dma_wait3A_382 : memref<1x1x32xf32, #tpu.memory_space<hbm>> -> memref<32xf32, #tpu.memory_space<hbm>>
        %dma_wait3A_384 = arith.constant 0 : i32
        %dma_wait3A_385 = tpu.memref_slice %arg6[%select_n3A_66, %scan3A_119, %dma_wait3A_377, %dma_wait3A_384] : memref<2x8x26x32xf32, #tpu.memory_space<vmem>> -> memref<1x1x1x32xf32, #tpu.memory_space<vmem>>
        %dma_wait3A_386 = tpu.memref_squeeze %dma_wait3A_385 : memref<1x1x1x32xf32, #tpu.memory_space<vmem>> -> memref<32xf32, #tpu.memory_space<vmem>>
        %dma_wait3A_387 = arith.constant 0 : i32
        %dma_wait3A_388 = tpu.memref_slice %arg3[%dma_wait3A_375, %dma_wait3A_376, %dma_wait3A_387] : memref<26x100001x32xf32, #tpu.memory_space<hbm>> -> memref<1x1x32xf32, #tpu.memory_space<hbm>>
        %dma_wait3A_389 = tpu.memref_squeeze %dma_wait3A_388 : memref<1x1x32xf32, #tpu.memory_space<hbm>> -> memref<32xf32, #tpu.memory_space<hbm>>
        tpu.wait_dma2 semaphore(%arg7 : memref<!tpu.dma_semaphore, #tpu.memory_space<semaphore_mem>>) src(%dma_wait3A_389 : memref<32xf32, #tpu.memory_space<hbm>>) dst(%dma_wait3A_386 : memref<32xf32, #tpu.memory_space<vmem>>)
        %dma_wait3A_390 = arith.constant 0 : i32
        %dma_wait3A_391 = arith.constant 0 : i32
        %dma_wait3A_392 = arith.constant 18 : i32
        %dma_wait3A_393 = arith.constant 0 : i32
        %dma_wait3A_394 = tpu.memref_slice %arg6[%select_n3A_66, %scan3A_119, %dma_wait3A_392, %dma_wait3A_393] : memref<2x8x26x32xf32, #tpu.memory_space<vmem>> -> memref<1x1x1x32xf32, #tpu.memory_space<vmem>>
        %dma_wait3A_395 = tpu.memref_squeeze %dma_wait3A_394 : memref<1x1x1x32xf32, #tpu.memory_space<vmem>> -> memref<32xf32, #tpu.memory_space<vmem>>
        %dma_wait3A_396 = arith.constant 0 : i32
        %dma_wait3A_397 = tpu.memref_slice %arg3[%dma_wait3A_390, %dma_wait3A_391, %dma_wait3A_396] : memref<26x100001x32xf32, #tpu.memory_space<hbm>> -> memref<1x1x32xf32, #tpu.memory_space<hbm>>
        %dma_wait3A_398 = tpu.memref_squeeze %dma_wait3A_397 : memref<1x1x32xf32, #tpu.memory_space<hbm>> -> memref<32xf32, #tpu.memory_space<hbm>>
        %dma_wait3A_399 = arith.constant 0 : i32
        %dma_wait3A_400 = tpu.memref_slice %arg6[%select_n3A_66, %scan3A_119, %dma_wait3A_392, %dma_wait3A_399] : memref<2x8x26x32xf32, #tpu.memory_space<vmem>> -> memref<1x1x1x32xf32, #tpu.memory_space<vmem>>
        %dma_wait3A_401 = tpu.memref_squeeze %dma_wait3A_400 : memref<1x1x1x32xf32, #tpu.memory_space<vmem>> -> memref<32xf32, #tpu.memory_space<vmem>>
        %dma_wait3A_402 = arith.constant 0 : i32
        %dma_wait3A_403 = tpu.memref_slice %arg3[%dma_wait3A_390, %dma_wait3A_391, %dma_wait3A_402] : memref<26x100001x32xf32, #tpu.memory_space<hbm>> -> memref<1x1x32xf32, #tpu.memory_space<hbm>>
        %dma_wait3A_404 = tpu.memref_squeeze %dma_wait3A_403 : memref<1x1x32xf32, #tpu.memory_space<hbm>> -> memref<32xf32, #tpu.memory_space<hbm>>
        tpu.wait_dma2 semaphore(%arg7 : memref<!tpu.dma_semaphore, #tpu.memory_space<semaphore_mem>>) src(%dma_wait3A_404 : memref<32xf32, #tpu.memory_space<hbm>>) dst(%dma_wait3A_401 : memref<32xf32, #tpu.memory_space<vmem>>)
        %dma_wait3A_405 = arith.constant 0 : i32
        %dma_wait3A_406 = arith.constant 0 : i32
        %dma_wait3A_407 = arith.constant 19 : i32
        %dma_wait3A_408 = arith.constant 0 : i32
        %dma_wait3A_409 = tpu.memref_slice %arg6[%select_n3A_66, %scan3A_119, %dma_wait3A_407, %dma_wait3A_408] : memref<2x8x26x32xf32, #tpu.memory_space<vmem>> -> memref<1x1x1x32xf32, #tpu.memory_space<vmem>>
        %dma_wait3A_410 = tpu.memref_squeeze %dma_wait3A_409 : memref<1x1x1x32xf32, #tpu.memory_space<vmem>> -> memref<32xf32, #tpu.memory_space<vmem>>
        %dma_wait3A_411 = arith.constant 0 : i32
        %dma_wait3A_412 = tpu.memref_slice %arg3[%dma_wait3A_405, %dma_wait3A_406, %dma_wait3A_411] : memref<26x100001x32xf32, #tpu.memory_space<hbm>> -> memref<1x1x32xf32, #tpu.memory_space<hbm>>
        %dma_wait3A_413 = tpu.memref_squeeze %dma_wait3A_412 : memref<1x1x32xf32, #tpu.memory_space<hbm>> -> memref<32xf32, #tpu.memory_space<hbm>>
        %dma_wait3A_414 = arith.constant 0 : i32
        %dma_wait3A_415 = tpu.memref_slice %arg6[%select_n3A_66, %scan3A_119, %dma_wait3A_407, %dma_wait3A_414] : memref<2x8x26x32xf32, #tpu.memory_space<vmem>> -> memref<1x1x1x32xf32, #tpu.memory_space<vmem>>
        %dma_wait3A_416 = tpu.memref_squeeze %dma_wait3A_415 : memref<1x1x1x32xf32, #tpu.memory_space<vmem>> -> memref<32xf32, #tpu.memory_space<vmem>>
        %dma_wait3A_417 = arith.constant 0 : i32
        %dma_wait3A_418 = tpu.memref_slice %arg3[%dma_wait3A_405, %dma_wait3A_406, %dma_wait3A_417] : memref<26x100001x32xf32, #tpu.memory_space<hbm>> -> memref<1x1x32xf32, #tpu.memory_space<hbm>>
        %dma_wait3A_419 = tpu.memref_squeeze %dma_wait3A_418 : memref<1x1x32xf32, #tpu.memory_space<hbm>> -> memref<32xf32, #tpu.memory_space<hbm>>
        tpu.wait_dma2 semaphore(%arg7 : memref<!tpu.dma_semaphore, #tpu.memory_space<semaphore_mem>>) src(%dma_wait3A_419 : memref<32xf32, #tpu.memory_space<hbm>>) dst(%dma_wait3A_416 : memref<32xf32, #tpu.memory_space<vmem>>)
        %dma_wait3A_420 = arith.constant 0 : i32
        %dma_wait3A_421 = arith.constant 0 : i32
        %dma_wait3A_422 = arith.constant 20 : i32
        %dma_wait3A_423 = arith.constant 0 : i32
        %dma_wait3A_424 = tpu.memref_slice %arg6[%select_n3A_66, %scan3A_119, %dma_wait3A_422, %dma_wait3A_423] : memref<2x8x26x32xf32, #tpu.memory_space<vmem>> -> memref<1x1x1x32xf32, #tpu.memory_space<vmem>>
        %dma_wait3A_425 = tpu.memref_squeeze %dma_wait3A_424 : memref<1x1x1x32xf32, #tpu.memory_space<vmem>> -> memref<32xf32, #tpu.memory_space<vmem>>
        %dma_wait3A_426 = arith.constant 0 : i32
        %dma_wait3A_427 = tpu.memref_slice %arg3[%dma_wait3A_420, %dma_wait3A_421, %dma_wait3A_426] : memref<26x100001x32xf32, #tpu.memory_space<hbm>> -> memref<1x1x32xf32, #tpu.memory_space<hbm>>
        %dma_wait3A_428 = tpu.memref_squeeze %dma_wait3A_427 : memref<1x1x32xf32, #tpu.memory_space<hbm>> -> memref<32xf32, #tpu.memory_space<hbm>>
        %dma_wait3A_429 = arith.constant 0 : i32
        %dma_wait3A_430 = tpu.memref_slice %arg6[%select_n3A_66, %scan3A_119, %dma_wait3A_422, %dma_wait3A_429] : memref<2x8x26x32xf32, #tpu.memory_space<vmem>> -> memref<1x1x1x32xf32, #tpu.memory_space<vmem>>
        %dma_wait3A_431 = tpu.memref_squeeze %dma_wait3A_430 : memref<1x1x1x32xf32, #tpu.memory_space<vmem>> -> memref<32xf32, #tpu.memory_space<vmem>>
        %dma_wait3A_432 = arith.constant 0 : i32
        %dma_wait3A_433 = tpu.memref_slice %arg3[%dma_wait3A_420, %dma_wait3A_421, %dma_wait3A_432] : memref<26x100001x32xf32, #tpu.memory_space<hbm>> -> memref<1x1x32xf32, #tpu.memory_space<hbm>>
        %dma_wait3A_434 = tpu.memref_squeeze %dma_wait3A_433 : memref<1x1x32xf32, #tpu.memory_space<hbm>> -> memref<32xf32, #tpu.memory_space<hbm>>
        tpu.wait_dma2 semaphore(%arg7 : memref<!tpu.dma_semaphore, #tpu.memory_space<semaphore_mem>>) src(%dma_wait3A_434 : memref<32xf32, #tpu.memory_space<hbm>>) dst(%dma_wait3A_431 : memref<32xf32, #tpu.memory_space<vmem>>)
        %dma_wait3A_435 = arith.constant 0 : i32
        %dma_wait3A_436 = arith.constant 0 : i32
        %dma_wait3A_437 = arith.constant 21 : i32
        %dma_wait3A_438 = arith.constant 0 : i32
        %dma_wait3A_439 = tpu.memref_slice %arg6[%select_n3A_66, %scan3A_119, %dma_wait3A_437, %dma_wait3A_438] : memref<2x8x26x32xf32, #tpu.memory_space<vmem>> -> memref<1x1x1x32xf32, #tpu.memory_space<vmem>>
        %dma_wait3A_440 = tpu.memref_squeeze %dma_wait3A_439 : memref<1x1x1x32xf32, #tpu.memory_space<vmem>> -> memref<32xf32, #tpu.memory_space<vmem>>
        %dma_wait3A_441 = arith.constant 0 : i32
        %dma_wait3A_442 = tpu.memref_slice %arg3[%dma_wait3A_435, %dma_wait3A_436, %dma_wait3A_441] : memref<26x100001x32xf32, #tpu.memory_space<hbm>> -> memref<1x1x32xf32, #tpu.memory_space<hbm>>
        %dma_wait3A_443 = tpu.memref_squeeze %dma_wait3A_442 : memref<1x1x32xf32, #tpu.memory_space<hbm>> -> memref<32xf32, #tpu.memory_space<hbm>>
        %dma_wait3A_444 = arith.constant 0 : i32
        %dma_wait3A_445 = tpu.memref_slice %arg6[%select_n3A_66, %scan3A_119, %dma_wait3A_437, %dma_wait3A_444] : memref<2x8x26x32xf32, #tpu.memory_space<vmem>> -> memref<1x1x1x32xf32, #tpu.memory_space<vmem>>
        %dma_wait3A_446 = tpu.memref_squeeze %dma_wait3A_445 : memref<1x1x1x32xf32, #tpu.memory_space<vmem>> -> memref<32xf32, #tpu.memory_space<vmem>>
        %dma_wait3A_447 = arith.constant 0 : i32
        %dma_wait3A_448 = tpu.memref_slice %arg3[%dma_wait3A_435, %dma_wait3A_436, %dma_wait3A_447] : memref<26x100001x32xf32, #tpu.memory_space<hbm>> -> memref<1x1x32xf32, #tpu.memory_space<hbm>>
        %dma_wait3A_449 = tpu.memref_squeeze %dma_wait3A_448 : memref<1x1x32xf32, #tpu.memory_space<hbm>> -> memref<32xf32, #tpu.memory_space<hbm>>
        tpu.wait_dma2 semaphore(%arg7 : memref<!tpu.dma_semaphore, #tpu.memory_space<semaphore_mem>>) src(%dma_wait3A_449 : memref<32xf32, #tpu.memory_space<hbm>>) dst(%dma_wait3A_446 : memref<32xf32, #tpu.memory_space<vmem>>)
        %dma_wait3A_450 = arith.constant 0 : i32
        %dma_wait3A_451 = arith.constant 0 : i32
        %dma_wait3A_452 = arith.constant 22 : i32
        %dma_wait3A_453 = arith.constant 0 : i32
        %dma_wait3A_454 = tpu.memref_slice %arg6[%select_n3A_66, %scan3A_119, %dma_wait3A_452, %dma_wait3A_453] : memref<2x8x26x32xf32, #tpu.memory_space<vmem>> -> memref<1x1x1x32xf32, #tpu.memory_space<vmem>>
        %dma_wait3A_455 = tpu.memref_squeeze %dma_wait3A_454 : memref<1x1x1x32xf32, #tpu.memory_space<vmem>> -> memref<32xf32, #tpu.memory_space<vmem>>
        %dma_wait3A_456 = arith.constant 0 : i32
        %dma_wait3A_457 = tpu.memref_slice %arg3[%dma_wait3A_450, %dma_wait3A_451, %dma_wait3A_456] : memref<26x100001x32xf32, #tpu.memory_space<hbm>> -> memref<1x1x32xf32, #tpu.memory_space<hbm>>
        %dma_wait3A_458 = tpu.memref_squeeze %dma_wait3A_457 : memref<1x1x32xf32, #tpu.memory_space<hbm>> -> memref<32xf32, #tpu.memory_space<hbm>>
        %dma_wait3A_459 = arith.constant 0 : i32
        %dma_wait3A_460 = tpu.memref_slice %arg6[%select_n3A_66, %scan3A_119, %dma_wait3A_452, %dma_wait3A_459] : memref<2x8x26x32xf32, #tpu.memory_space<vmem>> -> memref<1x1x1x32xf32, #tpu.memory_space<vmem>>
        %dma_wait3A_461 = tpu.memref_squeeze %dma_wait3A_460 : memref<1x1x1x32xf32, #tpu.memory_space<vmem>> -> memref<32xf32, #tpu.memory_space<vmem>>
        %dma_wait3A_462 = arith.constant 0 : i32
        %dma_wait3A_463 = tpu.memref_slice %arg3[%dma_wait3A_450, %dma_wait3A_451, %dma_wait3A_462] : memref<26x100001x32xf32, #tpu.memory_space<hbm>> -> memref<1x1x32xf32, #tpu.memory_space<hbm>>
        %dma_wait3A_464 = tpu.memref_squeeze %dma_wait3A_463 : memref<1x1x32xf32, #tpu.memory_space<hbm>> -> memref<32xf32, #tpu.memory_space<hbm>>
        tpu.wait_dma2 semaphore(%arg7 : memref<!tpu.dma_semaphore, #tpu.memory_space<semaphore_mem>>) src(%dma_wait3A_464 : memref<32xf32, #tpu.memory_space<hbm>>) dst(%dma_wait3A_461 : memref<32xf32, #tpu.memory_space<vmem>>)
        %dma_wait3A_465 = arith.constant 0 : i32
        %dma_wait3A_466 = arith.constant 0 : i32
        %dma_wait3A_467 = arith.constant 23 : i32
        %dma_wait3A_468 = arith.constant 0 : i32
        %dma_wait3A_469 = tpu.memref_slice %arg6[%select_n3A_66, %scan3A_119, %dma_wait3A_467, %dma_wait3A_468] : memref<2x8x26x32xf32, #tpu.memory_space<vmem>> -> memref<1x1x1x32xf32, #tpu.memory_space<vmem>>
        %dma_wait3A_470 = tpu.memref_squeeze %dma_wait3A_469 : memref<1x1x1x32xf32, #tpu.memory_space<vmem>> -> memref<32xf32, #tpu.memory_space<vmem>>
        %dma_wait3A_471 = arith.constant 0 : i32
        %dma_wait3A_472 = tpu.memref_slice %arg3[%dma_wait3A_465, %dma_wait3A_466, %dma_wait3A_471] : memref<26x100001x32xf32, #tpu.memory_space<hbm>> -> memref<1x1x32xf32, #tpu.memory_space<hbm>>
        %dma_wait3A_473 = tpu.memref_squeeze %dma_wait3A_472 : memref<1x1x32xf32, #tpu.memory_space<hbm>> -> memref<32xf32, #tpu.memory_space<hbm>>
        %dma_wait3A_474 = arith.constant 0 : i32
        %dma_wait3A_475 = tpu.memref_slice %arg6[%select_n3A_66, %scan3A_119, %dma_wait3A_467, %dma_wait3A_474] : memref<2x8x26x32xf32, #tpu.memory_space<vmem>> -> memref<1x1x1x32xf32, #tpu.memory_space<vmem>>
        %dma_wait3A_476 = tpu.memref_squeeze %dma_wait3A_475 : memref<1x1x1x32xf32, #tpu.memory_space<vmem>> -> memref<32xf32, #tpu.memory_space<vmem>>
        %dma_wait3A_477 = arith.constant 0 : i32
        %dma_wait3A_478 = tpu.memref_slice %arg3[%dma_wait3A_465, %dma_wait3A_466, %dma_wait3A_477] : memref<26x100001x32xf32, #tpu.memory_space<hbm>> -> memref<1x1x32xf32, #tpu.memory_space<hbm>>
        %dma_wait3A_479 = tpu.memref_squeeze %dma_wait3A_478 : memref<1x1x32xf32, #tpu.memory_space<hbm>> -> memref<32xf32, #tpu.memory_space<hbm>>
        tpu.wait_dma2 semaphore(%arg7 : memref<!tpu.dma_semaphore, #tpu.memory_space<semaphore_mem>>) src(%dma_wait3A_479 : memref<32xf32, #tpu.memory_space<hbm>>) dst(%dma_wait3A_476 : memref<32xf32, #tpu.memory_space<vmem>>)
        %dma_wait3A_480 = arith.constant 0 : i32
        %dma_wait3A_481 = arith.constant 0 : i32
        %dma_wait3A_482 = arith.constant 24 : i32
        %dma_wait3A_483 = arith.constant 0 : i32
        %dma_wait3A_484 = tpu.memref_slice %arg6[%select_n3A_66, %scan3A_119, %dma_wait3A_482, %dma_wait3A_483] : memref<2x8x26x32xf32, #tpu.memory_space<vmem>> -> memref<1x1x1x32xf32, #tpu.memory_space<vmem>>
        %dma_wait3A_485 = tpu.memref_squeeze %dma_wait3A_484 : memref<1x1x1x32xf32, #tpu.memory_space<vmem>> -> memref<32xf32, #tpu.memory_space<vmem>>
        %dma_wait3A_486 = arith.constant 0 : i32
        %dma_wait3A_487 = tpu.memref_slice %arg3[%dma_wait3A_480, %dma_wait3A_481, %dma_wait3A_486] : memref<26x100001x32xf32, #tpu.memory_space<hbm>> -> memref<1x1x32xf32, #tpu.memory_space<hbm>>
        %dma_wait3A_488 = tpu.memref_squeeze %dma_wait3A_487 : memref<1x1x32xf32, #tpu.memory_space<hbm>> -> memref<32xf32, #tpu.memory_space<hbm>>
        %dma_wait3A_489 = arith.constant 0 : i32
        %dma_wait3A_490 = tpu.memref_slice %arg6[%select_n3A_66, %scan3A_119, %dma_wait3A_482, %dma_wait3A_489] : memref<2x8x26x32xf32, #tpu.memory_space<vmem>> -> memref<1x1x1x32xf32, #tpu.memory_space<vmem>>
        %dma_wait3A_491 = tpu.memref_squeeze %dma_wait3A_490 : memref<1x1x1x32xf32, #tpu.memory_space<vmem>> -> memref<32xf32, #tpu.memory_space<vmem>>
        %dma_wait3A_492 = arith.constant 0 : i32
        %dma_wait3A_493 = tpu.memref_slice %arg3[%dma_wait3A_480, %dma_wait3A_481, %dma_wait3A_492] : memref<26x100001x32xf32, #tpu.memory_space<hbm>> -> memref<1x1x32xf32, #tpu.memory_space<hbm>>
        %dma_wait3A_494 = tpu.memref_squeeze %dma_wait3A_493 : memref<1x1x32xf32, #tpu.memory_space<hbm>> -> memref<32xf32, #tpu.memory_space<hbm>>
        tpu.wait_dma2 semaphore(%arg7 : memref<!tpu.dma_semaphore, #tpu.memory_space<semaphore_mem>>) src(%dma_wait3A_494 : memref<32xf32, #tpu.memory_space<hbm>>) dst(%dma_wait3A_491 : memref<32xf32, #tpu.memory_space<vmem>>)
        %dma_wait3A_495 = arith.constant 0 : i32
        %dma_wait3A_496 = arith.constant 0 : i32
        %dma_wait3A_497 = arith.constant 25 : i32
        %dma_wait3A_498 = arith.constant 0 : i32
        %dma_wait3A_499 = tpu.memref_slice %arg6[%select_n3A_66, %scan3A_119, %dma_wait3A_497, %dma_wait3A_498] : memref<2x8x26x32xf32, #tpu.memory_space<vmem>> -> memref<1x1x1x32xf32, #tpu.memory_space<vmem>>
        %dma_wait3A_500 = tpu.memref_squeeze %dma_wait3A_499 : memref<1x1x1x32xf32, #tpu.memory_space<vmem>> -> memref<32xf32, #tpu.memory_space<vmem>>
        %dma_wait3A_501 = arith.constant 0 : i32
        %dma_wait3A_502 = tpu.memref_slice %arg3[%dma_wait3A_495, %dma_wait3A_496, %dma_wait3A_501] : memref<26x100001x32xf32, #tpu.memory_space<hbm>> -> memref<1x1x32xf32, #tpu.memory_space<hbm>>
        %dma_wait3A_503 = tpu.memref_squeeze %dma_wait3A_502 : memref<1x1x32xf32, #tpu.memory_space<hbm>> -> memref<32xf32, #tpu.memory_space<hbm>>
        %dma_wait3A_504 = arith.constant 0 : i32
        %dma_wait3A_505 = tpu.memref_slice %arg6[%select_n3A_66, %scan3A_119, %dma_wait3A_497, %dma_wait3A_504] : memref<2x8x26x32xf32, #tpu.memory_space<vmem>> -> memref<1x1x1x32xf32, #tpu.memory_space<vmem>>
        %dma_wait3A_506 = tpu.memref_squeeze %dma_wait3A_505 : memref<1x1x1x32xf32, #tpu.memory_space<vmem>> -> memref<32xf32, #tpu.memory_space<vmem>>
        %dma_wait3A_507 = arith.constant 0 : i32
        %dma_wait3A_508 = tpu.memref_slice %arg3[%dma_wait3A_495, %dma_wait3A_496, %dma_wait3A_507] : memref<26x100001x32xf32, #tpu.memory_space<hbm>> -> memref<1x1x32xf32, #tpu.memory_space<hbm>>
        %dma_wait3A_509 = tpu.memref_squeeze %dma_wait3A_508 : memref<1x1x32xf32, #tpu.memory_space<hbm>> -> memref<32xf32, #tpu.memory_space<hbm>>
        tpu.wait_dma2 semaphore(%arg7 : memref<!tpu.dma_semaphore, #tpu.memory_space<semaphore_mem>>) src(%dma_wait3A_509 : memref<32xf32, #tpu.memory_space<hbm>>) dst(%dma_wait3A_506 : memref<32xf32, #tpu.memory_space<vmem>>)
      }
      %scan3A_102 = arith.constant 8 : i32
      %dma_start3A_103 = arith.constant 0 : i32
      %dma_start3A_104 = arith.constant 0 : i32
      %dma_start3A_105 = arith.constant 0 : i32
      %dma_start3A_106 = tpu.memref_slice %arg6[%select_n3A_66, %dma_start3A_103, %dma_start3A_104, %dma_start3A_105] : memref<2x8x26x32xf32, #tpu.memory_space<vmem>> -> memref<1x8x26x32xf32, #tpu.memory_space<vmem>>
      %dma_start3A_107 = tpu.memref_squeeze %dma_start3A_106 : memref<1x8x26x32xf32, #tpu.memory_space<vmem>> -> memref<8x26x32xf32, #tpu.memory_space<vmem>>
      %dma_start3A_108 = arith.constant 0 : i32
      %dma_start3A_109 = arith.constant 0 : i32
      %dma_start3A_110 = tpu.memref_slice %arg4[%add3A_69, %dma_start3A_108, %dma_start3A_109] : memref<16384x26x32xf32, #tpu.memory_space<hbm>> -> memref<8x26x32xf32, #tpu.memory_space<hbm>>
      %dma_start3A_111 = arith.constant 0 : i32
      %dma_start3A_112 = arith.constant 0 : i32
      %dma_start3A_113 = tpu.memref_slice %arg4[%add3A_69, %dma_start3A_111, %dma_start3A_112] : memref<16384x26x32xf32, #tpu.memory_space<hbm>> -> memref<8x26x32xf32, #tpu.memory_space<hbm>>
      %dma_start3A_114 = arith.constant 0 : i32
      %dma_start3A_115 = arith.constant 0 : i32
      %dma_start3A_116 = arith.constant 0 : i32
      %dma_start3A_117 = tpu.memref_slice %arg6[%select_n3A_66, %dma_start3A_114, %dma_start3A_115, %dma_start3A_116] : memref<2x8x26x32xf32, #tpu.memory_space<vmem>> -> memref<1x8x26x32xf32, #tpu.memory_space<vmem>>
      %dma_start3A_118 = tpu.memref_squeeze %dma_start3A_117 : memref<1x8x26x32xf32, #tpu.memory_space<vmem>> -> memref<8x26x32xf32, #tpu.memory_space<vmem>>
      tpu.enqueue_dma source(%dma_start3A_118 : memref<8x26x32xf32, #tpu.memory_space<vmem>>) target(%dma_start3A_113 : memref<8x26x32xf32, #tpu.memory_space<hbm>>) target_semaphore(%arg9 : memref<!tpu.dma_semaphore, #tpu.memory_space<semaphore_mem>>)
    }
    %scan3A_19 = arith.constant 64 : i32
    %add3A_20 = arith.constant 496 : i32
    %add3A_21 = arith.addi %mul3A_2, %add3A_20 : i32
    %dma_wait3A = arith.constant 0 : i32
    %dma_wait3A_22 = arith.constant 0 : i32
    %dma_wait3A_23 = arith.constant 0 : i32
    %dma_wait3A_24 = arith.constant 0 : i32
    %dma_wait3A_25 = tpu.memref_slice %arg6[%dma_wait3A, %dma_wait3A_22, %dma_wait3A_23, %dma_wait3A_24] : memref<2x8x26x32xf32, #tpu.memory_space<vmem>> -> memref<1x8x26x32xf32, #tpu.memory_space<vmem>>
    %dma_wait3A_26 = tpu.memref_squeeze %dma_wait3A_25 : memref<1x8x26x32xf32, #tpu.memory_space<vmem>> -> memref<8x26x32xf32, #tpu.memory_space<vmem>>
    %dma_wait3A_27 = arith.constant 0 : i32
    %dma_wait3A_28 = arith.constant 0 : i32
    %dma_wait3A_29 = tpu.memref_slice %arg4[%add3A_21, %dma_wait3A_27, %dma_wait3A_28] : memref<16384x26x32xf32, #tpu.memory_space<hbm>> -> memref<8x26x32xf32, #tpu.memory_space<hbm>>
    %dma_wait3A_30 = arith.constant 0 : i32
    %dma_wait3A_31 = arith.constant 0 : i32
    %dma_wait3A_32 = tpu.memref_slice %arg4[%add3A_21, %dma_wait3A_30, %dma_wait3A_31] : memref<16384x26x32xf32, #tpu.memory_space<hbm>> -> memref<8x26x32xf32, #tpu.memory_space<hbm>>
    %dma_wait3A_33 = arith.constant 0 : i32
    %dma_wait3A_34 = arith.constant 0 : i32
    %dma_wait3A_35 = arith.constant 0 : i32
    %dma_wait3A_36 = tpu.memref_slice %arg6[%dma_wait3A, %dma_wait3A_33, %dma_wait3A_34, %dma_wait3A_35] : memref<2x8x26x32xf32, #tpu.memory_space<vmem>> -> memref<1x8x26x32xf32, #tpu.memory_space<vmem>>
    %dma_wait3A_37 = tpu.memref_squeeze %dma_wait3A_36 : memref<1x8x26x32xf32, #tpu.memory_space<vmem>> -> memref<8x26x32xf32, #tpu.memory_space<vmem>>
    tpu.wait_dma2 semaphore(%arg9 : memref<!tpu.dma_semaphore, #tpu.memory_space<semaphore_mem>>) src(%dma_wait3A_37 : memref<8x26x32xf32, #tpu.memory_space<vmem>>) dst(%dma_wait3A_32 : memref<8x26x32xf32, #tpu.memory_space<hbm>>)
    %add3A_38 = arith.constant 504 : i32
    %add3A_39 = arith.addi %mul3A_2, %add3A_38 : i32
    %dma_wait3A_40 = arith.constant 1 : i32
    %dma_wait3A_41 = arith.constant 0 : i32
    %dma_wait3A_42 = arith.constant 0 : i32
    %dma_wait3A_43 = arith.constant 0 : i32
    %dma_wait3A_44 = tpu.memref_slice %arg6[%dma_wait3A_40, %dma_wait3A_41, %dma_wait3A_42, %dma_wait3A_43] : memref<2x8x26x32xf32, #tpu.memory_space<vmem>> -> memref<1x8x26x32xf32, #tpu.memory_space<vmem>>
    %dma_wait3A_45 = tpu.memref_squeeze %dma_wait3A_44 : memref<1x8x26x32xf32, #tpu.memory_space<vmem>> -> memref<8x26x32xf32, #tpu.memory_space<vmem>>
    %dma_wait3A_46 = arith.constant 0 : i32
    %dma_wait3A_47 = arith.constant 0 : i32
    %dma_wait3A_48 = tpu.memref_slice %arg4[%add3A_39, %dma_wait3A_46, %dma_wait3A_47] : memref<16384x26x32xf32, #tpu.memory_space<hbm>> -> memref<8x26x32xf32, #tpu.memory_space<hbm>>
    %dma_wait3A_49 = arith.constant 0 : i32
    %dma_wait3A_50 = arith.constant 0 : i32
    %dma_wait3A_51 = tpu.memref_slice %arg4[%add3A_39, %dma_wait3A_49, %dma_wait3A_50] : memref<16384x26x32xf32, #tpu.memory_space<hbm>> -> memref<8x26x32xf32, #tpu.memory_space<hbm>>
    %dma_wait3A_52 = arith.constant 0 : i32
    %dma_wait3A_53 = arith.constant 0 : i32
    %dma_wait3A_54 = arith.constant 0 : i32
    %dma_wait3A_55 = tpu.memref_slice %arg6[%dma_wait3A_40, %dma_wait3A_52, %dma_wait3A_53, %dma_wait3A_54] : memref<2x8x26x32xf32, #tpu.memory_space<vmem>> -> memref<1x8x26x32xf32, #tpu.memory_space<vmem>>
    %dma_wait3A_56 = tpu.memref_squeeze %dma_wait3A_55 : memref<1x8x26x32xf32, #tpu.memory_space<vmem>> -> memref<8x26x32xf32, #tpu.memory_space<vmem>>
    tpu.wait_dma2 semaphore(%arg9 : memref<!tpu.dma_semaphore, #tpu.memory_space<semaphore_mem>>) src(%dma_wait3A_56 : memref<8x26x32xf32, #tpu.memory_space<vmem>>) dst(%dma_wait3A_51 : memref<8x26x32xf32, #tpu.memory_space<hbm>>)
    return
  }
}

</mosaic_0001>

<sc_bundles>
// kernel: kernel.3.cloned.1.call-start
scs
__scs_entry_jumppad:
0x0: {  	(pc) =	sbr.rel $0x88, $3  }
0x1: {  	(tag) =	ssettag $0x0;
	lr =	simm.s32 $0x1  }
0x2: {  	[smem:$0x3F9F] =	sst lr;
	_ =	strace $0xD0000000  }
0x3: {  	_ = 	snop  }
0x4: {  	_ = 	snop  }
0x5: {  	_ = 	snop  }
0x6: {  	_ = 	snop  }
0x7: {  	_ = 	snop  }
__scs_overlays_trampoline_lowered:
0x8: {  	[smem:$0x3FAE] =	sst s0  }
0x9: {  	[smem:$0x3FAF] =	sst s1  }
0xa: {  	[smem:$0x3FB0] =	sst s2  }
0xb: {  	[smem:$0x3FB1] =	sst s3  }
0xc: {  	[smem:$0x3FB2] =	sst s4  }
0xd: {  	[smem:$0x3FB3] =	sst s5  }
0xe: {  	[smem:$0x3FB4] =	sst s6  }
0xf: {  	[smem:$0x3FB5] =	sst s7  }
0x10: {  	[smem:$0x3FB6] =	sst s8  }
0x11: {  	[smem:$0x3FB7] =	sst s9;
	s0 =	simm.s32 @!p0 $0x0  }
0x12: {  	s1 =	sld [smem:$0x3F9D];
	s0 =	simm.s32 @p0 $0x1  }
0x13: {  	[smem:$0x3FB8] =	sst s0;
	s0 =	simm.s32 @!p1 $0x0  }
0x14: {  	s2 =	sld [smem:$0x3F9C];
	s0 =	simm.s32 @p1 $0x1  }
0x15: {  	[smem:$0x3FB9] =	sst s0;
	s0 =	simm.s32 @!p2 $0x0  }
0x16: {  	s3 =	sld [smem:$0x3FDB];
	s0 =	simm.s32 @p2 $0x1  }
0x17: {  	s4 =	simm.s32 $0x1BF5;
	[smem:$0x3FBB] =	sst s0  }
0x18: {  	s0 =	sld [smem:$0x3F9E];
	_ =	swait.ge [sflag:s4], $0x0  }
0x19: {  	s7 =	sld [smem:$0x3F9F]  }
0x1a: {  	s8 =	sadd.s32 $0xFFFFE003, lr  }
0x1b: {  	s9 =	sadd.s32 $0xFFFFFEF7, lr;
	s5 =	simm.s32 $0xFFFFFFFF;
	p2 =	slt.u32 s8, $0xFFFFF086  }
0x1c: {  	p1 =	slt.u32 s9, $0xF7A;
	s5 =	simm.s32 @!p2 $0x0  }
0x1d: {  	s5 =	simm.s32 @p1 $0x1;
	p0 =	seq.s32 s7, s2  }
0x1e: {  	s7 =	smul.u32 @!p0 $0xF7A, s2;
	p2 =	seq.s32 @!p0 s5, $0x0  }
0x1f: {  	s9 =	smul.u32 $0xF7A, s1;
	s8 =	simm.s32 @!p0 $0x1BF5;
	p2 =	por !p2, p0  }
0x20: {  	[sflag:s8] =	ssyncset.s32 @!p0 $0xFFFFF086;
	s6 =	sadd.s32 @!p0 s3, s7;
	s7 =	simm.s32 @!p0 $0x108  }
0x21: {  	s3 =	sadd.s32 s3, s9;
	s6 =	sadd.s32 @!p0 $0x88, s6;
	s7 =	simm.s32 @p2 $0x1082  }
0x22: {  	[simem:s7], [sflag:s8] =	dma.local @!p0 [hbm:s6], $0xF7A  }
0x23: {  	s9 =	sor.u32 $0xD0000000, s2;
	s6 =	simm.s32 $0x108;
	_ =	swait.ge @!p0 [sflag:s8], $0x0  }
0x24: {  	s3 =	sadd.s32 $0x88, s3;
	s6 =	simm.s32 @!p1 $0x1082;
	[sflag:s4] =	ssyncset.s32 $0xFFFFF086  }
0x25: {  	[simem:s6], [sflag:s4] =	dma.local [hbm:s3], $0xF7A  }
0x26: {  	[smem:$0x3F9F] =	sst s1;
	(tag) =	ssettag s2;
	_ =	strace s9  }
0x27: {  	s1 =	sld [smem:$0x3FAF]  }
0x28: {  	s2 =	sld [smem:$0x3FB0]  }
0x29: {  	s4 =	sld [smem:$0x3FB2]  }
0x2a: {  	p0 =	seq.s32 s5, $0x0;
	s5 =	sld [smem:$0x3FB3]  }
0x2b: {  	s6 =	sld [smem:$0x3FB4]  }
0x2c: {  	s7 =	sld [smem:$0x3FB5]  }
0x2d: {  	s3 =	simm.s32 $0x108;
	s8 =	sld [smem:$0x3FB6]  }
0x2e: {  	s3 =	simm.s32 @!p0 $0x1082;
	s9 =	sld [smem:$0x3FB7]  }
0x2f: {  	lr =	sadd.s32 s0, s3;
	s0 =	sld [smem:$0x3FAE]  }
0x30: {  	s3 =	sld [smem:$0x3FB1]  }
0x31: {  	[smem:$0x3FBA] =	sst s10  }
0x32: {  	s10 =	sld [smem:$0x3FB8];
	_ =	sdelay $0x3  }
0x33: {  	p0 =	seq.s32 s10, $0x1;
	s10 =	sld [smem:$0x3FBA];
	_ =	sdelay $0x3  }
0x34: {  	[smem:$0x3FBA] =	sst s10  }
0x35: {  	s10 =	sld [smem:$0x3FB9];
	_ =	sdelay $0x3  }
0x36: {  	p1 =	seq.s32 s10, $0x1;
	s10 =	sld [smem:$0x3FBA];
	_ =	sdelay $0x3  }
0x37: {  	[smem:$0x3FBA] =	sst s10  }
0x38: {  	s10 =	sld [smem:$0x3FBB]  }
0x39: {  	_ = 	snop;
	(pc) =	sbr.ind lr, $3  }
0x3a: {  	_ = 	snop  }
0x3b: {  	_ = 	snop  }
0x3c: {  	p2 =	seq.s32 s10, $0x1;
	s10 =	sld [smem:$0x3FBA]  }
0x3d: {  	_ =	shalt  }
0x3e: {  	_ =	shalt  }
0x3f: {  	_ =	shalt  }
0x40: {  	_ =	shalt  }
0x41: {  	_ =	shalt  }
0x42: {  	_ =	shalt  }
0x43: {  	_ =	shalt  }
0x44: {  	_ =	shalt  }
0x45: {  	_ =	shalt  }
0x46: {  	_ =	shalt  }
0x47: {  	_ =	shalt  }
0x48: {  	_ =	shalt  }
0x49: {  	_ =	shalt  }
0x4a: {  	_ =	shalt  }
0x4b: {  	_ =	shalt  }
0x4c: {  	_ =	shalt  }
0x4d: {  	_ =	shalt  }
0x4e: {  	_ =	shalt  }
0x4f: {  	_ =	shalt  }
0x50: {  	_ =	shalt  }
0x51: {  	_ =	shalt  }
0x52: {  	_ =	shalt  }
0x53: {  	_ =	shalt  }
0x54: {  	_ =	shalt  }
0x55: {  	_ =	shalt  }
0x56: {  	_ =	shalt  }
0x57: {  	_ =	shalt  }
0x58: {  	_ =	shalt  }
0x59: {  	_ =	shalt  }
0x5a: {  	_ =	shalt  }
0x5b: {  	_ =	shalt  }
0x5c: {  	_ =	shalt  }
0x5d: {  	_ =	shalt  }
0x5e: {  	_ =	shalt  }
0x5f: {  	_ =	shalt  }
0x60: {  	_ =	shalt  }
0x61: {  	_ =	shalt  }
0x62: {  	_ =	shalt  }
0x63: {  	_ =	shalt  }
0x64: {  	_ =	shalt  }
0x65: {  	_ =	shalt  }
0x66: {  	_ =	shalt  }
0x67: {  	_ =	shalt  }
0x68: {  	_ =	shalt  }
0x69: {  	_ =	shalt  }
0x6a: {  	_ =	shalt  }
0x6b: {  	_ =	shalt  }
0x6c: {  	_ =	shalt  }
0x6d: {  	_ =	shalt  }
0x6e: {  	_ =	shalt  }
0x6f: {  	_ =	shalt  }
0x70: {  	_ =	shalt  }
0x71: {  	_ =	shalt  }
0x72: {  	_ =	shalt  }
0x73: {  	_ =	shalt  }
0x74: {  	_ =	shalt  }
0x75: {  	_ =	shalt  }
0x76: {  	_ =	shalt  }
0x77: {  	_ =	shalt  }
0x78: {  	_ =	shalt  }
0x79: {  	_ =	shalt  }
0x7a: {  	_ =	shalt  }
0x7b: {  	_ =	shalt  }
0x7c: {  	_ =	shalt  }
0x7d: {  	_ =	shalt  }
0x7e: {  	_ =	shalt  }
0x7f: {  	_ =	shalt  }
0x80: {  	_ =	shalt  }
0x81: {  	_ =	shalt  }
0x82: {  	_ =	shalt  }
0x83: {  	_ =	shalt  }
0x84: {  	_ =	shalt  }
0x85: {  	_ =	shalt  }
0x86: {  	_ =	shalt  }
0x87: {  	_ =	shalt  }
.Lfunc_end0:
.L_simem_size_0:
called_computation_lowered:
.L_overlay_start_0:
0x88: {  	s2 =	sld [smem:$0x3FD9]  }
0x89: {  	s3 =	sld [smem:$0x3FFE];
	_ =	sdelay $0x1  }
0x8a: {  	s1 =	srdreg.scid  }
0x8b: {  	s0 =	sand.u32 $0x1, s1  }
0x8c: {  	s17 =	sshll.u32 s0, $0xA;
	s2 =	sadd.s32 s3, s2  }
0x8d: {  	s2 =	sadd.s32 s2, s17  }
0x8e: {  	[smem:$0x3FC6] =	sst s2  }
0x8f: {  	_ = 	snop  }
0x90: {  	s2 =	sld [smem:$0x3FD0];
	(tm) =	ssettm $0x1  }
0x91: {  	s18 =	sld [smem:$0x3FFB];
	_ =	sdelay $0x3  }
0x92: {  	_ =	strace s18  }
0x93: {  	s3 =	sld [smem:$0x3FFC];
	_ =	sdelay $0x3  }
0x94: {  	_ =	strace s3  }
0x95: {  	s3 =	sld [smem:$0x3FFD];
	_ =	sdelay $0x3  }
0x96: {  	_ =	strace s3  }
0x97: {  	_ =	strace $0x8FFFFFFF  }
0x98: {  	s19 =	sld [smem:$0x3FDB];
	_ =	sdelay $0x1  }
0x99: {  	s4 =	simm.s32 $_scs_section_size  }
0x9a: {  	s5 =	simm.s32 $_size__tile_overlayer_lowered;
	s6 =	simm.s32 $_tile_overlayer_lowered  }
0x9b: {  	s22 =	simm.s32 $0x1BFF;
	s21 =	sshll.u32 s6, $0x1;
	s3 =	sadd.s32 s4, s19  }
0x9c: {  	s7 =	simm.s32 $0x0;
	s20 =	sshll.u32 s5, $0x1;
	s5 =	sadd.s32 s21, s3  }
0x9d: {  	[timem:s7], [sflag:s22] =	dma.local [hbm:s5], s20  }
0x9e: {  	_ =	swait.ge [sflag:s22], s20  }
0x9f: {  	s4 =	ssub.s32 $0x0, s20;
	[sflag:s22] =	ssyncset.done $0x0  }
0xa0: {  	[sflag:s22] =	ssyncadd.s32 s4;
	_ =	sdelay $0x1  }
0xa1: {  	s23 =	simm.s32 $0x1B8B  }
0xa2: {  	_ =	swait.ge [sflag:s23], $0x1  }
0xa3: {  	[sflag:s23] =	ssyncset.done $0x0  }
0xa4: {  	s25 =	simm.s32 $0x1B8E;
	s24 =	sld [smem:$0x3FFE];
	[sflag:s23] =	ssyncadd.s32 $0xFFFFFFFF  }
0xa5: {  	s26 =	simm.s32 $execute0_lowered;
	[smem:$0x3FD2] =	sst s25  }
0xa6: {  	s5 =	sshll.u32 s26, $0x1;
	_ =	strace $0x80000046;
	[dreg:$0x1] =	wrdreg $0xFFFFFFFF  }
0xa7: {  	s28 =	simm.s32 $_size_execute0_lowered;
	s3 =	sadd.s32 s3, s5;
	[dreg:$0x0] =	wrdreg $0x0  }
0xa8: {  	s5 =	sshll.u32 s28, $0x1;
	[dreg:$0x2] =	wrdreg s3  }
0xa9: {  	[dreg:$0x3] =	wrdreg s5  }
0xaa: {  	[dreg:$0x4] =	wrdreg $0xC0  }
0xab: {  	_ =	task [dreg:s7], $0x5FFFF  }
0xac: {  	[dreg:$0x1] =	wrdreg $0xFFFFFFFF  }
0xad: {  	[dreg:$0x0] =	wrdreg $0x60  }
0xae: {  	[dreg:$0x2] =	wrdreg s2  }
0xaf: {  	[dreg:$0x3] =	wrdreg s24  }
0xb0: {  	[dreg:$0x4] =	wrdreg $0x9  }
0xb1: {  	_ =	task.clear_ibuf [dreg:s7], $0x5FFFF;
	_ =	strace $0x90000046  }
0xb2: {  	s29 =	simm.s32 $0x9;
	_ =	strace $0x80000048  }
0xb3: {  	_ =	swait.ge [sflag:s29], $0x1  }
0xb4: {  	[sflag:s29] =	ssyncadd.s32 $0xFFFFFFFF  }
0xb5: {  	_ =	strace $0x90000048  }
0xb6: {  	_ =	sfence  }
0xb7: {  	s30 =	sld [smem:$0x0];
	_ =	sdelay $0x2  }
0xb8: {  	s31 =	sshll.u32 s1, $0xD;
	s1 =	sshrl.u32 s1, $0x2  }
0xb9: {  	s3 =	sand.u32 $0x4000, s31;
	s1 =	sadd.s32 s1, s30  }
0xba: {  	s0 =	sor.u32 s3, s0;
	s1 =	sshll.u32 s1, $0x11  }
0xbb: {  	s0 =	sor.u32 s1, s0  }
0xbc: {  	s0 =	sadd.s32 $0x8F2B, s0  }
0xbd: {  	[sflag:s0] =	ssyncadd.remote.s32 $0x1  }
0xbe: {  	_ =	sfence.sel $0xFFFF  }
0xbf: {  	[dreg:$0x0] =	wrdreg $0xFFFFFFFF;
	(pc) =	sbr.abs _section_cstart, $3  }
0xc0: {  	[dreg:$0x1] =	wrdreg $0xFFFFFFFF  }
0xc1: {  	_ =	task.clear_ibuf [dreg:s7], $0x2FFFF;
	_ =	strace $0x9FFFFFFF  }
0xc2: {  	(tm) =	ssettm $0x7FFFFFFF  }
0xc3: {  	_ =	shalt  }
tec
execute0_lowered:
.L_overlay_start_1:
0x0: {  	(tag) =	ssettag $0x1  }
0x1: {  	s0 =	rddreg [dreg:$0x0]  }
0x2: {  	s1 =	rddreg [dreg:$0x1];
	s3 =	srdreg.scid;
	s2 =	simm.s32 $0x0  }
0x3: {  	s4 =	stileid.u32;
	s3 =	sand.u32 $0x1, s3;
	[smem:$0x7FF] =	sst s2  }
0x4: {  	s4 =	sshll.u32 s4, $0xA;
	s5 =	sshll.u32 s3, $0x9;
	_ =	strace $0x80000047  }
0x5: {  	s3 =	ssub.s32 $0x2, s3;
	s6 =	sor.u32 s5, s4;
	s4 =	sadd.s32 $0x400, s1  }
0x6: {  	s1 =	sadd.s32 $0x27AD600, s1;
	[dreg:$0xa] =	wrdreg s6;
	s6 =	sshll.u32 s6, $0x4  }
0x7: {  	s26 =	sshrl.u32 s3, $0x1;
	[dreg:$0xb] =	wrdreg s1;
	s29 =	sadd.s32 s0, s6  }
0x8: {  	s28 =	ssub.s32 s3, s26;
	s0 =	sadd.s32 $0x80, s0;
	[dreg:$0xc] =	wrdreg s29  }
0x9: {  	s9 =	simm.s32 $0x1;
	s31 =	smax.u32 s28, $0x1;
	[dreg:$0xd] =	wrdreg s0  }
0xa: {  	s30 =	simm.s32 $0x0;
	s3 =	simm.s32 $0x0;
	[dreg:$0xe] =	wrdreg s31  }
.LBB2_1:
0xb: {  	[dreg:$0xf] =	wrdreg s3  }
0xc: {  	s0 =	rddreg [dreg:$0xc];
	p0 =	por $0x0, $0x0;
	s16 =	simm.s32 $0x0  }
0xd: {  	[tilespmem:s2], [sflag:$0x2] =	stream.linear.gather [hbm4b:s0+s2], $0x400, $0x38;
	[tilespmem:$0x10800] =	vst v63  }
.LBB2_2:
0xe: {  	s0 =	simm.s32 $0x1  }
0xf: {  	s0 =	simm.s32 @!p0 $0x0  }
0x10: {  	s1 =	sshll.u32 s0, $0xF  }
0x11: {  	s1 =	sor.u32 $0x800, s1  }
0x12: {  	s19 =	simm.s32 $0x2;
	[dreg:$0x3] =	wrdreg s1  }
0x13: {  	_ =	swait.ge [sflag:s19], $0x400  }
0x14: {  	p1 =	slt.u32 s16, $0x2;
	[sflag:s19] =	ssyncset.done $0x0  }
0x15: {  	s1 =	simm.s32 @!p1 $0x3;
	[sflag:s19] =	ssyncadd.s32 $0xFFFFFC00  }
0x16: {  	_ =	swait.ge @!p1 [sflag:s1], $0x6800  }
0x17: {  	[sflag:s1] =	ssyncset.done @!p1 $0x0  }
0x18: {  	s0 =	sshll.u32 s0, $0xA;
	[sflag:s1] =	ssyncadd.s32 @!p1 $0xFFFF9800  }
0x19: {  	v0 =	vld [tilespmem:s0+$0x0];
	_ =	sdelay $0x4  }
0x1a: {  	v1 =	vshll.u32 v0, $0x7;
	(v2sf) =	vpush v0, $0x0  }
0x1b: {  	(v2sf) =	vpush v1, $0xE  }
0x1c: {  	(v2sf) =	vpush v1, $0x3  }
0x1d: {  	(v2sf) =	vpush v1, $0x7  }
0x1e: {  	(v2sf) =	vpush v1, $0xC;
	_ =	sdelay $0x1  }
0x1f: {  	(v2sf) =	vpush v1, $0x2  }
0x20: {  	(v2sf) =	vpush v1, $0x4  }
0x21: {  	(v2sf) =	vpush v1, $0x1;
	_ =	sdelay $0x1  }
0x22: {  	s8 =	sand.u32 $0x1, s16;
	[dreg:$0x13] =	wrdreg s16;
	(v2sf) =	vpush v1, $0x6  }
0x23: {  	[dreg:$0x14] =	wrdreg s8  }
0x24: {  	s5 =	sshll.u32 s16, $0x3;
	s20 =	rddreg [dreg:$0x3]  }
0x25: {  	s21 =	sshll.u32 s8, $0xF;
	s19 =	simm.s32 $0x4000;
	s7 =	rddreg [dreg:$0xa]  }
0x26: {  	[dreg:$0x10] =	wrdreg s21;
	s5 =	sadd.s32 s7, s5;
	s18 =	sadd.s32 $0x0, s20  }
0x27: {  	[dreg:$0x11] =	wrdreg s5;
	s5 =	sor.u32 $0x800, s21;
	s6 =	spop (v2sf);
	(v2sf) =	vpush v1, $0x8  }
0x28: {  	s10 =	sadd.s32 $0x200, s18;
	s21 =	sadd.s32 $0x700, s18;
	s3 =	spop (v2sf)  }
0x29: {  	s11 =	sadd.s32 $0x100, s18;
	(v2sf) =	vpush v1, $0x5;
	s6 =	sshll.u32 s6, $0x4;
	s22 =	spop (v2sf)  }
0x2a: {  	s1 =	sadd.s32 $0x500, s18;
	s6 =	sand.u32 $0x1FFFFFF0, s6;
	s8 =	spop (v2sf)  }
0x2b: {  	[dreg:$0x12] =	wrdreg s5;
	s6 =	sadd.s32 s4, s6;
	s5 =	spop (v2sf)  }
0x2c: {  	v0 =	vld [tilespmem:s0+$0xA];
	[tilespmem:s18], [sflag:$0x1] =	stream.linear.gather [hbm4b:s6+s2], $0x80, $0x38  }
0x2d: {  	s13 =	sadd.s32 $0x300, s18;
	s15 =	sadd.s32 $0x380, s18;
	s12 =	spop (v2sf)  }
0x2e: {  	s20 =	sadd.s32 $0x80, s18;
	s23 =	sadd.s32 $0x400, s18;
	s14 =	spop (v2sf)  }
0x2f: {  	s24 =	sadd.s32 $0x180, s18;
	s16 =	sadd.s32 $0xC80, s18;
	s17 =	spop (v2sf)  }
0x30: {  	s29 =	sadd.s32 $0xA80, s18;
	s28 =	sadd.s32 $0x680, s18;
	s17 =	sadd.s32 $0xC35400, s17  }
0x31: {  	s12 =	sadd.s32 $0x186A800, s12;
	s26 =	spop (v2sf);
	(v2sf) =	vpush v1, $0x9;
	s17 =	sshrl.u32 s17, $0x3  }
0x32: {  	s7 =	sadd.s32 $0x249FC00, s22;
	s12 =	sshrl.u32 s12, $0x3;
	s17 =	sadd.s32 s4, s17  }
0x33: {  	[tilespmem:s20], [sflag:$0x1] =	stream.linear.gather [hbm4b:s17+s2], $0x80, $0x38;
	[tilespmem:$0x10800] =	vst v63  }
0x34: {  	s22 =	sadd.s32 $0x280, s18;
	s7 =	sshrl.u32 s7, $0x3;
	s12 =	sadd.s32 s4, s12  }
0x35: {  	[tilespmem:s11], [sflag:$0x1] =	stream.linear.gather [hbm4b:s12+s2], $0x80, $0x38;
	[tilespmem:$0x10800] =	vst v63  }
0x36: {  	s7 =	sadd.s32 s4, s7;
	s25 =	sadd.s32 $0x30D5000, s14;
	s12 =	spop (v2sf)  }
0x37: {  	[tilespmem:s24], [sflag:$0x1] =	stream.linear.gather [hbm4b:s7+s2], $0x80, $0x38;
	[tilespmem:$0x10800] =	vst v63  }
0x38: {  	s6 =	sadd.s32 $0x480, s18;
	s11 =	sshrl.u32 s25, $0x3;
	(v2sf) =	vpush v1, $0xA;
	s31 =	spop (v2sf)  }
0x39: {  	s5 =	sadd.s32 $0x927F000, s5;
	s11 =	sadd.s32 s4, s11;
	s20 =	sadd.s32 $0x3D0A400, s31  }
0x3a: {  	v0 =	vshll.u32 v0, $0x7;
	(v2sf) =	vpush v1, $0xB;
	[tilespmem:s10], [sflag:$0x1] =	stream.linear.gather [hbm4b:s11+s2], $0x80, $0x38;
	[tilespmem:$0x10800] =	vst v63  }
0x3b: {  	s5 =	sshrl.u32 s5, $0x3;
	s24 =	sadd.s32 $0x493F800, s26;
	(v2sf) =	vpush v0, $0x6;
	s7 =	sshrl.u32 s20, $0x3  }
0x3c: {  	s25 =	sadd.s32 $0x5574C00, s8;
	s26 =	sshrl.u32 s24, $0x3;
	(v2sf) =	vpush v1, $0xD;
	s7 =	sadd.s32 s4, s7  }
0x3d: {  	[tilespmem:s22], [sflag:$0x1] =	stream.linear.gather [hbm4b:s7+s2], $0x80, $0x38;
	[tilespmem:$0x10800] =	vst v63  }
0x3e: {  	s14 =	sadd.s32 $0xB80, s18;
	s8 =	sadd.s32 s4, s26;
	(v2sf) =	vpush v0, $0x7;
	s7 =	sshrl.u32 s25, $0x3  }
0x3f: {  	[tilespmem:s13], [sflag:$0x1] =	stream.linear.gather [hbm4b:s8+s2], $0x80, $0x38;
	[tilespmem:$0x10800] =	vst v63  }
0x40: {  	s31 =	sadd.s32 $0x61AA000, s12;
	s7 =	sadd.s32 s4, s7;
	s11 =	spop (v2sf)  }
0x41: {  	(v2sf) =	vpush v0, $0x8;
	[tilespmem:s15], [sflag:$0x1] =	stream.linear.gather [hbm4b:s7+s2], $0x80, $0x38;
	[tilespmem:$0x10800] =	vst v63  }
0x42: {  	s17 =	sadd.s32 $0xB00, s18;
	s10 =	sshrl.u32 s31, $0x3;
	(v2sf) =	vpush v1, $0xF;
	s13 =	sadd.s32 $0x6DDF400, s11  }
0x43: {  	s12 =	sadd.s32 $0xAAE9800, s3;
	s8 =	sadd.s32 s4, s10;
	s3 =	sshrl.u32 s13, $0x3  }
0x44: {  	[tilespmem:s23], [sflag:$0x1] =	stream.linear.gather [hbm4b:s8+s2], $0x80, $0x38;
	[tilespmem:$0x10800] =	vst v63  }
0x45: {  	s24 =	sadd.s32 $0x980, s18;
	s22 =	sadd.s32 $0x900, s18;
	(v2sf) =	vpush v0, $0x9;
	s3 =	sadd.s32 s4, s3  }
0x46: {  	[tilespmem:s6], [sflag:$0x1] =	stream.linear.gather [hbm4b:s3+s2], $0x80, $0x38;
	[tilespmem:$0x10800] =	vst v63  }
0x47: {  	s15 =	sadd.s32 $0xA00, s18;
	s7 =	sadd.s32 $0x600, s18;
	s20 =	spop (v2sf)  }
0x48: {  	s8 =	sadd.s32 $0x580, s18;
	s23 =	sadd.s32 $0x80, s0;
	s10 =	sadd.s32 $0x7A14800, s20  }
0x49: {  	s0 =	sshrl.u32 s12, $0x3;
	s25 =	spop (v2sf);
	s26 =	sshrl.u32 s10, $0x3  }
0x4a: {  	s3 =	sadd.s32 $0x8649C00, s25;
	s31 =	spop (v2sf);
	s25 =	sadd.s32 s4, s5  }
0x4b: {  	s6 =	sadd.s32 s4, s26;
	s3 =	sshrl.u32 s3, $0x3;
	s11 =	spop (v2sf)  }
0x4c: {  	[tilespmem:s1], [sflag:$0x1] =	stream.linear.gather [hbm4b:s6+s2], $0x80, $0x38;
	[tilespmem:$0x10800] =	vst v63  }
0x4d: {  	s10 =	sadd.s32 $0xC354000, s31;
	s6 =	sadd.s32 $0x9EB4400, s11;
	s12 =	spop (v2sf)  }
0x4e: {  	s1 =	sadd.s32 s4, s3;
	s3 =	sshrl.u32 s10, $0x3;
	s13 =	sadd.s32 $0xCF89400, s12  }
0x4f: {  	[tilespmem:s8], [sflag:$0x1] =	stream.linear.gather [hbm4b:s1+s2], $0x80, $0x38;
	[tilespmem:$0x10800] =	vst v63  }
0x50: {  	s20 =	spop (v2sf);
	s6 =	sshrl.u32 s6, $0x3;
	s1 =	sshrl.u32 s13, $0x3  }
0x51: {  	(v2sf) =	vpush v0, $0xA;
	s8 =	sadd.s32 $0xDBBE800, s20;
	s26 =	spop (v2sf);
	s11 =	sadd.s32 s4, s6  }
0x52: {  	(v2sf) =	vpush v0, $0xB;
	s6 =	sadd.s32 $0x880, s18;
	s5 =	sshrl.u32 s8, $0x3;
	s31 =	sadd.s32 $0xB71EC00, s26  }
0x53: {  	(v2sf) =	vpush v0, $0xC;
	[tilespmem:s7], [sflag:$0x1] =	stream.linear.gather [hbm4b:s25+s2], $0x80, $0x38;
	[tilespmem:$0x10800] =	vst v63  }
0x54: {  	(v2sf) =	vpush v0, $0xD;
	s8 =	sadd.s32 s4, s0;
	s10 =	sshrl.u32 s31, $0x3;
	s7 =	spop (v2sf)  }
.LBB2_3:
0x55: {  	[tilespmem:s28], [sflag:$0x1] =	stream.linear.gather [hbm4b:s11+s2], $0x80, $0x38;
	[tilespmem:$0x10800] =	vst v63  }
0x56: {  	_ = 	snop  }
0x57: {  	[tilespmem:s21], [sflag:$0x1] =	stream.linear.gather [hbm4b:s8+s2], $0x80, $0x38;
	[tilespmem:$0x10800] =	vst v63  }
0x58: {  	(v2sf) =	vpush v0, $0xE;
	s25 =	sadd.s32 $0x780, s18;
	s26 =	sadd.s32 s4, s10  }
0x59: {  	[tilespmem:s25], [sflag:$0x1] =	stream.linear.gather [hbm4b:s26+s2], $0x80, $0x38;
	[tilespmem:$0x10800] =	vst v63  }
0x5a: {  	s12 =	sadd.s32 $0x800, s18;
	s3 =	sadd.s32 s4, s3  }
0x5b: {  	[tilespmem:s12], [sflag:$0x1] =	stream.linear.gather [hbm4b:s3+s2], $0x80, $0x38;
	[tilespmem:$0x10800] =	vst v63  }
0x5c: {  	s1 =	sadd.s32 s4, s1  }
0x5d: {  	[tilespmem:s6], [sflag:$0x1] =	stream.linear.gather [hbm4b:s1+s2], $0x80, $0x38;
	[tilespmem:$0x10800] =	vst v63  }
0x5e: {  	s20 =	sadd.s32 s4, s5;
	s21 =	sadd.s32 $0xE7F3C00, s7  }
0x5f: {  	[tilespmem:s22], [sflag:$0x1] =	stream.linear.gather [hbm4b:s20+s2], $0x80, $0x38;
	[tilespmem:$0x10800] =	vst v63  }
0x60: {  	s26 =	sshrl.u32 s21, $0x3;
	s13 =	spop (v2sf);
	(v2sf) =	vpush v0, $0xF  }
0x61: {  	s1 =	sadd.s32 s4, s26;
	s31 =	sadd.s32 $0xF429000, s13;
	s13 =	spop (v2sf)  }
0x62: {  	[tilespmem:s24], [sflag:$0x1] =	stream.linear.gather [hbm4b:s1+s2], $0x80, $0x38;
	[tilespmem:$0x10800] =	vst v63  }
0x63: {  	s11 =	sshrl.u32 s31, $0x3;
	s25 =	sadd.s32 $0x1005E400, s13  }
0x64: {  	s7 =	spop (v2sf);
	s31 =	sshrl.u32 s25, $0x3;
	s8 =	sadd.s32 s4, s11  }
0x65: {  	s6 =	sadd.s32 $0x10C93800, s7;
	s12 =	spop (v2sf);
	s10 =	sadd.s32 s4, s31  }
0x66: {  	[tilespmem:s15], [sflag:$0x1] =	stream.linear.gather [hbm4b:s8+s2], $0x80, $0x38;
	[tilespmem:$0x10800] =	vst v63  }
0x67: {  	s11 =	sshrl.u32 s6, $0x3;
	s15 =	sadd.s32 $0x118C8C00, s12;
	s20 =	spop (v2sf)  }
0x68: {  	[tilespmem:s29], [sflag:$0x1] =	stream.linear.gather [hbm4b:s10+s2], $0x80, $0x38;
	[tilespmem:$0x10800] =	vst v63  }
0x69: {  	s13 =	sadd.s32 s4, s11;
	s21 =	sshrl.u32 s15, $0x3;
	s22 =	sadd.s32 $0x124FE000, s20  }
0x6a: {  	[tilespmem:s17], [sflag:$0x1] =	stream.linear.gather [hbm4b:s13+s2], $0x80, $0x38;
	[tilespmem:$0x10800] =	vst v63  }
0x6b: {  	s1 =	sadd.s32 s4, s21;
	s25 =	sshrl.u32 s22, $0x3  }
0x6c: {  	[tilespmem:s14], [sflag:$0x1] =	stream.linear.gather [hbm4b:s1+s2], $0x80, $0x38;
	[tilespmem:$0x10800] =	vst v63  }
0x6d: {  	s31 =	sadd.s32 $0xC00, s18;
	s3 =	sadd.s32 s4, s25  }
0x6e: {  	[tilespmem:s31], [sflag:$0x1] =	stream.linear.gather [hbm4b:s3+s2], $0x80, $0x38;
	[tilespmem:$0x10800] =	vst v63  }
0x6f: {  	s24 =	spop (v2sf)  }
0x70: {  	s26 =	sadd.s32 $0x13133400, s24  }
0x71: {  	s5 =	sshrl.u32 s26, $0x3  }
0x72: {  	s6 =	sadd.s32 s4, s5  }
0x73: {  	[tilespmem:s16], [sflag:$0x1] =	stream.linear.gather [hbm4b:s6+s2], $0x80, $0x38;
	[tilespmem:$0x10800] =	vst v63  }
0x74: {  	v0 =	vld [tilespmem:s23+$0x0];
	_ =	sdelay $0x4  }
0x75: {  	v1 =	vshll.u32 v0, $0x7;
	(v2sf) =	vpush v0, $0x0  }
0x76: {  	(v2sf) =	vpush v1, $0xE  }
0x77: {  	(v2sf) =	vpush v1, $0x3  }
0x78: {  	(v2sf) =	vpush v1, $0x7  }
0x79: {  	s0 =	smov.u32 s19;
	(v2sf) =	vpush v1, $0xC  }
0x7a: {  	s0 =	sshra.s32 s0, $0x2;
	s7 =	rddreg [dreg:$0x3]  }
0x7b: {  	p1 =	sne.s32 s19, $0x1C000;
	s19 =	sadd.s32 $0x4000, s19;
	s18 =	sadd.s32 s0, s7;
	(v2sf) =	vpush v1, $0x2  }
0x7c: {  	s12 =	sadd.s32 $0x200, s18;
	s0 =	sadd.s32 $0x700, s18;
	s7 =	sadd.s32 $0x100, s18;
	(v2sf) =	vpush v1, $0x4  }
0x7d: {  	s8 =	sadd.s32 $0x500, s18;
	s11 =	sadd.s32 $0x380, s18;
	[dreg:$0x5] =	wrdreg s0;
	(v2sf) =	vpush v1, $0x1  }
0x7e: {  	s15 =	sadd.s32 $0xA00, s18;
	s28 =	sadd.s32 $0x680, s18;
	[dreg:$0x4] =	wrdreg s8  }
0x7f: {  	s10 =	sadd.s32 $0x480, s18;
	s29 =	sadd.s32 $0xA80, s18;
	[dreg:$0x6] =	wrdreg s15;
	(v2sf) =	vpush v1, $0x6  }
0x80: {  	s0 =	sadd.s32 $0x900, s18;
	[dreg:$0x8] =	wrdreg s10;
	s13 =	sadd.s32 $0xC80, s18;
	(v2sf) =	vpush v1, $0x8  }
0x81: {  	s8 =	sadd.s32 $0x580, s18;
	s10 =	sadd.s32 $0x180, s18;
	[dreg:$0x9] =	wrdreg s13;
	(v2sf) =	vpush v1, $0x5  }
0x82: {  	s13 =	sadd.s32 $0x280, s18;
	s14 =	sadd.s32 $0x80, s18;
	s1 =	sadd.s32 $0xB00, s18  }
0x83: {  	s3 =	sadd.s32 $0x300, s18;
	s26 =	sadd.s32 $0xB80, s18;
	s6 =	sadd.s32 $0x400, s18;
	(v2sf) =	vpush v1, $0x9  }
0x84: {  	s2 =	sadd.s32 $0x980, s18;
	s16 =	sadd.s32 $0x600, s18;
	s17 =	spop (v2sf)  }
0x85: {  	[dreg:$0x7] =	wrdreg s16;
	s5 =	sshll.u32 s17, $0x4;
	s20 =	spop (v2sf)  }
0x86: {  	v0 =	vld [tilespmem:s23+$0xA];
	s23 =	sadd.s32 $0x80, s23;
	s15 =	sand.u32 $0x1FFFFFF0, s5;
	s21 =	spop (v2sf)  }
0x87: {  	s20 =	sadd.s32 $0xAAE9800, s20;
	s5 =	sadd.s32 $0x249FC00, s21;
	s22 =	spop (v2sf)  }
0x88: {  	(v2sf) =	vpush v1, $0xA;
	s15 =	sadd.s32 s4, s15;
	s16 =	sshrl.u32 s5, $0x3;
	s25 =	spop (v2sf)  }
0x89: {  	[tilespmem:s18], [sflag:$0x1] =	stream.linear.gather [hbm4b:s15+s30], $0x80, $0x38;
	[tilespmem:$0x10800] =	vst v63  }
0x8a: {  	s24 =	sadd.s32 $0x5574C00, s22;
	s15 =	sshrl.u32 s20, $0x3;
	s22 =	spop (v2sf)  }
0x8b: {  	s17 =	sshrl.u32 s24, $0x3;
	s31 =	sadd.s32 $0x927F000, s25;
	s24 =	spop (v2sf)  }
0x8c: {  	(v2sf) =	vpush v1, $0xB;
	s21 =	sadd.s32 $0x186A800, s22;
	s5 =	sshrl.u32 s31, $0x3;
	s25 =	spop (v2sf)  }
0x8d: {  	s21 =	sshrl.u32 s21, $0x3;
	s22 =	sadd.s32 $0x30D5000, s24;
	s24 =	sadd.s32 $0xC35400, s25  }
0x8e: {  	s22 =	sshrl.u32 s22, $0x3;
	s25 =	spop (v2sf);
	s24 =	sshrl.u32 s24, $0x3  }
0x8f: {  	v0 =	vshll.u32 v0, $0x7;
	s25 =	sadd.s32 $0x493F800, s25;
	s31 =	spop (v2sf);
	s24 =	sadd.s32 s4, s24  }
0x90: {  	(v2sf) =	vpush v0, $0x6;
	s25 =	sshrl.u32 s25, $0x3;
	s31 =	sadd.s32 $0x61AA000, s31;
	s20 =	spop (v2sf)  }
0x91: {  	[tilespmem:s14], [sflag:$0x1] =	stream.linear.gather [hbm4b:s24+s30], $0x80, $0x38;
	[tilespmem:$0x10800] =	vst v63  }
0x92: {  	(v2sf) =	vpush v1, $0xD;
	s14 =	sadd.s32 s4, s21;
	s21 =	sshrl.u32 s31, $0x3;
	s31 =	spop (v2sf)  }
0x93: {  	[tilespmem:s7], [sflag:$0x1] =	stream.linear.gather [hbm4b:s14+s30], $0x80, $0x38;
	[tilespmem:$0x10800] =	vst v63  }
0x94: {  	s20 =	sadd.s32 $0x3D0A400, s20;
	s24 =	sadd.s32 $0x6DDF400, s31;
	s7 =	sadd.s32 s4, s16  }
0x95: {  	(v2sf) =	vpush v0, $0x7;
	s16 =	sshrl.u32 s24, $0x3;
	s24 =	smov.u32 s2;
	s2 =	simm.s32 $0x0  }
0x96: {  	[tilespmem:s10], [sflag:$0x1] =	stream.linear.gather [hbm4b:s7+s2], $0x80, $0x38;
	[tilespmem:$0x10800] =	vst v63  }
0x97: {  	s14 =	sshrl.u32 s20, $0x3;
	s31 =	spop (v2sf);
	s10 =	sadd.s32 s4, s22  }
0x98: {  	s22 =	smov.u32 s0;
	s20 =	sadd.s32 $0x7A14800, s31;
	s31 =	sadd.s32 s4, s14  }
0x99: {  	(v2sf) =	vpush v0, $0x8;
	s14 =	smov.u32 s26;
	s26 =	sadd.s32 s4, s17;
	s17 =	smov.u32 s1  }
0x9a: {  	[tilespmem:s12], [sflag:$0x1] =	stream.linear.gather [hbm4b:s10+s2], $0x80, $0x38;
	[tilespmem:$0x10800] =	vst v63  }
0x9b: {  	s1 =	sadd.s32 s4, s21;
	s21 =	rddreg [dreg:$0x5];
	s0 =	spop (v2sf)  }
0x9c: {  	(v2sf) =	vpush v1, $0xF;
	[tilespmem:s13], [sflag:$0x1] =	stream.linear.gather [hbm4b:s31+s2], $0x80, $0x38;
	[tilespmem:$0x10800] =	vst v63  }
0x9d: {  	s10 =	sshrl.u32 s20, $0x3;
	s20 =	sadd.s32 s4, s25;
	s0 =	sadd.s32 $0x8649C00, s0  }
0x9e: {  	[tilespmem:s3], [sflag:$0x1] =	stream.linear.gather [hbm4b:s20+s2], $0x80, $0x38;
	[tilespmem:$0x10800] =	vst v63  }
0x9f: {  	s12 =	sshrl.u32 s0, $0x3;
	s20 =	rddreg [dreg:$0x8];
	s25 =	spop (v2sf);
	(v2sf) =	vpush v0, $0x9  }
0xa0: {  	[tilespmem:s11], [sflag:$0x1] =	stream.linear.gather [hbm4b:s26+s2], $0x80, $0x38;
	[tilespmem:$0x10800] =	vst v63  }
0xa1: {  	s11 =	sadd.s32 s4, s16;
	s16 =	rddreg [dreg:$0x9];
	s0 =	spop (v2sf)  }
0xa2: {  	s31 =	sadd.s32 $0xC354000, s25;
	s25 =	sadd.s32 s4, s10;
	s13 =	sadd.s32 $0x9EB4400, s0  }
0xa3: {  	[tilespmem:s6], [sflag:$0x1] =	stream.linear.gather [hbm4b:s1+s2], $0x80, $0x38;
	[tilespmem:$0x10800] =	vst v63  }
0xa4: {  	s3 =	sshrl.u32 s31, $0x3;
	s7 =	sshrl.u32 s13, $0x3;
	s13 =	spop (v2sf)  }
0xa5: {  	[tilespmem:s20], [sflag:$0x1] =	stream.linear.gather [hbm4b:s11+s2], $0x80, $0x38;
	[tilespmem:$0x10800] =	vst v63  }
0xa6: {  	s26 =	sadd.s32 $0xCF89400, s13;
	s11 =	rddreg [dreg:$0x4];
	s13 =	sadd.s32 s4, s12  }
0xa7: {  	[tilespmem:s11], [sflag:$0x1] =	stream.linear.gather [hbm4b:s25+s2], $0x80, $0x38;
	[tilespmem:$0x10800] =	vst v63  }
0xa8: {  	s1 =	sshrl.u32 s26, $0x3;
	s25 =	sadd.s32 s4, s5;
	s31 =	spop (v2sf)  }
0xa9: {  	[tilespmem:s8], [sflag:$0x1] =	stream.linear.gather [hbm4b:s13+s2], $0x80, $0x38;
	[tilespmem:$0x10800] =	vst v63  }
.Ltmp0:
0xaa: {  	s11 =	sadd.s32 s4, s7;
	s20 =	sadd.s32 $0xDBBE800, s31;
	(pc) =	sbr.rel @p1 .LBB2_3-.Ltmp0, $4  }
0xab: {  	(v2sf) =	vpush v0, $0xA;
	s8 =	sadd.s32 s4, s15;
	s31 =	rddreg [dreg:$0x7];
	s26 =	spop (v2sf)  }
0xac: {  	(v2sf) =	vpush v0, $0xB;
	[tilespmem:s31], [sflag:$0x1] =	stream.linear.gather [hbm4b:s25+s2], $0x80, $0x38;
	[tilespmem:$0x10800] =	vst v63  }
0xad: {  	(v2sf) =	vpush v0, $0xC;
	s15 =	rddreg [dreg:$0x6];
	s5 =	sshrl.u32 s20, $0x3;
	s6 =	sadd.s32 $0xB71EC00, s26  }
0xae: {  	(v2sf) =	vpush v0, $0xD;
	s10 =	sshrl.u32 s6, $0x3;
	s6 =	sadd.s32 $0x880, s18;
	s7 =	spop (v2sf)  }
0xaf: {  	[tilespmem:s28], [sflag:$0x1] =	stream.linear.gather [hbm4b:s11+s2], $0x80, $0x38;
	[tilespmem:$0x10800] =	vst v63  }
0xb0: {  	_ = 	snop  }
0xb1: {  	[tilespmem:s21], [sflag:$0x1] =	stream.linear.gather [hbm4b:s8+s2], $0x80, $0x38;
	[tilespmem:$0x10800] =	vst v63  }
0xb2: {  	(v2sf) =	vpush v0, $0xE;
	s0 =	sadd.s32 $0x780, s18;
	s19 =	sadd.s32 s4, s10  }
0xb3: {  	[tilespmem:s0], [sflag:$0x1] =	stream.linear.gather [hbm4b:s19+s2], $0x80, $0x38;
	[tilespmem:$0x10800] =	vst v63  }
0xb4: {  	s13 =	sadd.s32 $0x800, s18;
	s3 =	sadd.s32 s4, s3  }
0xb5: {  	[tilespmem:s13], [sflag:$0x1] =	stream.linear.gather [hbm4b:s3+s2], $0x80, $0x38;
	[tilespmem:$0x10800] =	vst v63  }
0xb6: {  	s21 =	sadd.s32 s4, s1  }
0xb7: {  	[tilespmem:s6], [sflag:$0x1] =	stream.linear.gather [hbm4b:s21+s2], $0x80, $0x38;
	[tilespmem:$0x10800] =	vst v63  }
0xb8: {  	s26 =	sadd.s32 s4, s5;
	s28 =	sadd.s32 $0xE7F3C00, s7  }
0xb9: {  	[tilespmem:s22], [sflag:$0x1] =	stream.linear.gather [hbm4b:s26+s2], $0x80, $0x38;
	[tilespmem:$0x10800] =	vst v63  }
0xba: {  	s6 =	sshrl.u32 s28, $0x3;
	s12 =	spop (v2sf);
	(v2sf) =	vpush v0, $0xF  }
0xbb: {  	s0 =	sadd.s32 s4, s6;
	s20 =	sadd.s32 $0xF429000, s12;
	s25 =	spop (v2sf)  }
0xbc: {  	[tilespmem:s24], [sflag:$0x1] =	stream.linear.gather [hbm4b:s0+s2], $0x80, $0x38;
	[tilespmem:$0x10800] =	vst v63  }
0xbd: {  	s23 =	sshrl.u32 s20, $0x3;
	s31 =	sadd.s32 $0x1005E400, s25  }
0xbe: {  	s10 =	spop (v2sf);
	s8 =	sshrl.u32 s31, $0x3;
	s1 =	sadd.s32 s4, s23  }
0xbf: {  	s11 =	sadd.s32 $0x10C93800, s10;
	s13 =	spop (v2sf);
	s12 =	sadd.s32 s4, s8  }
0xc0: {  	[tilespmem:s15], [sflag:$0x1] =	stream.linear.gather [hbm4b:s1+s2], $0x80, $0x38;
	[tilespmem:$0x10800] =	vst v63  }
0xc1: {  	s3 =	sshrl.u32 s11, $0x3;
	s20 =	sadd.s32 $0x118C8C00, s13;
	s21 =	spop (v2sf)  }
0xc2: {  	[tilespmem:s29], [sflag:$0x1] =	stream.linear.gather [hbm4b:s12+s2], $0x80, $0x38;
	[tilespmem:$0x10800] =	vst v63  }
0xc3: {  	s19 =	sadd.s32 s4, s3;
	s22 =	sshrl.u32 s20, $0x3;
	s23 =	sadd.s32 $0x124FE000, s21  }
0xc4: {  	[tilespmem:s17], [sflag:$0x1] =	stream.linear.gather [hbm4b:s19+s2], $0x80, $0x38;
	[tilespmem:$0x10800] =	vst v63  }
0xc5: {  	s0 =	sadd.s32 s4, s22;
	s25 =	sshrl.u32 s23, $0x3  }
0xc6: {  	[tilespmem:s14], [sflag:$0x1] =	stream.linear.gather [hbm4b:s0+s2], $0x80, $0x38;
	[tilespmem:$0x10800] =	vst v63  }
0xc7: {  	s28 =	sadd.s32 $0xC00, s18;
	s1 =	sadd.s32 s4, s25  }
0xc8: {  	[tilespmem:s28], [sflag:$0x1] =	stream.linear.gather [hbm4b:s1+s2], $0x80, $0x38;
	[tilespmem:$0x10800] =	vst v63  }
0xc9: {  	s31 =	rddreg [dreg:$0x13];
	s24 =	spop (v2sf)  }
0xca: {  	s5 =	rddreg [dreg:$0x11];
	p1 =	seq.s32 s31, $0x3F;
	s26 =	sadd.s32 $0x13133400, s24  }
0xcb: {  	s0 =	sshll.u32 @!p1 s5, $0x4;
	s1 =	rddreg [dreg:$0x14];
	s3 =	sshrl.u32 s26, $0x3  }
0xcc: {  	s1 =	sshll.u32 @!p1 s1, $0xA;
	s29 =	sadd.s32 s4, s3;
	s3 =	rddreg [dreg:$0xd]  }
0xcd: {  	[tilespmem:s16], [sflag:$0x1] =	stream.linear.gather [hbm4b:s29+s2], $0x80, $0x38;
	[tilespmem:$0x10800] =	vst v63  }
0xce: {  	s1 =	sxor.u32 @!p1 $0x400, s1;
	s0 =	sadd.s32 @!p1 s0, s3;
	s3 =	simm.s32 @!p1 $0x0  }
0xcf: {  	[tilespmem:s1], [sflag:$0x2] =	stream.linear.gather @!p1 [hbm4b:s0+s3], $0x400, $0x38;
	[tilespmem:$0x10800] =	vst v63  }
0xd0: {  	_ =	swait.ge [sflag:s9], $0x80  }
0xd1: {  	[sflag:s9] =	ssyncset.done $0x0  }
0xd2: {  	[sflag:s9] =	ssyncadd.s32 $0xFFFFFF80  }
0xd3: {  	_ =	swait.ge [sflag:s9], $0x80  }
0xd4: {  	[sflag:s9] =	ssyncset.done $0x0  }
0xd5: {  	[sflag:s9] =	ssyncadd.s32 $0xFFFFFF80  }
0xd6: {  	_ =	swait.ge [sflag:s9], $0x80  }
0xd7: {  	[sflag:s9] =	ssyncset.done $0x0  }
0xd8: {  	[sflag:s9] =	ssyncadd.s32 $0xFFFFFF80  }
0xd9: {  	_ =	swait.ge [sflag:s9], $0x80  }
0xda: {  	[sflag:s9] =	ssyncset.done $0x0  }
0xdb: {  	[sflag:s9] =	ssyncadd.s32 $0xFFFFFF80  }
0xdc: {  	_ =	swait.ge [sflag:s9], $0x80  }
0xdd: {  	[sflag:s9] =	ssyncset.done $0x0  }
0xde: {  	[sflag:s9] =	ssyncadd.s32 $0xFFFFFF80  }
0xdf: {  	_ =	swait.ge [sflag:s9], $0x80  }
0xe0: {  	[sflag:s9] =	ssyncset.done $0x0  }
0xe1: {  	[sflag:s9] =	ssyncadd.s32 $0xFFFFFF80  }
0xe2: {  	_ =	swait.ge [sflag:s9], $0x80  }
0xe3: {  	[sflag:s9] =	ssyncset.done $0x0  }
0xe4: {  	[sflag:s9] =	ssyncadd.s32 $0xFFFFFF80  }
0xe5: {  	_ =	swait.ge [sflag:s9], $0x80  }
0xe6: {  	[sflag:s9] =	ssyncset.done $0x0  }
0xe7: {  	[sflag:s9] =	ssyncadd.s32 $0xFFFFFF80  }
0xe8: {  	_ =	swait.ge [sflag:s9], $0x80  }
0xe9: {  	[sflag:s9] =	ssyncset.done $0x0  }
0xea: {  	[sflag:s9] =	ssyncadd.s32 $0xFFFFFF80  }
0xeb: {  	_ =	swait.ge [sflag:s9], $0x80  }
0xec: {  	[sflag:s9] =	ssyncset.done $0x0  }
0xed: {  	[sflag:s9] =	ssyncadd.s32 $0xFFFFFF80  }
0xee: {  	_ =	swait.ge [sflag:s9], $0x80  }
0xef: {  	[sflag:s9] =	ssyncset.done $0x0  }
0xf0: {  	[sflag:s9] =	ssyncadd.s32 $0xFFFFFF80  }
0xf1: {  	_ =	swait.ge [sflag:s9], $0x80  }
0xf2: {  	[sflag:s9] =	ssyncset.done $0x0  }
0xf3: {  	[sflag:s9] =	ssyncadd.s32 $0xFFFFFF80  }
0xf4: {  	_ =	swait.ge [sflag:s9], $0x80  }
0xf5: {  	[sflag:s9] =	ssyncset.done $0x0  }
0xf6: {  	[sflag:s9] =	ssyncadd.s32 $0xFFFFFF80  }
0xf7: {  	_ =	swait.ge [sflag:s9], $0x80  }
0xf8: {  	[sflag:s9] =	ssyncset.done $0x0  }
0xf9: {  	[sflag:s9] =	ssyncadd.s32 $0xFFFFFF80  }
0xfa: {  	_ =	swait.ge [sflag:s9], $0x80  }
0xfb: {  	[sflag:s9] =	ssyncset.done $0x0  }
0xfc: {  	[sflag:s9] =	ssyncadd.s32 $0xFFFFFF80  }
0xfd: {  	_ =	swait.ge [sflag:s9], $0x80  }
0xfe: {  	[sflag:s9] =	ssyncset.done $0x0  }
0xff: {  	[sflag:s9] =	ssyncadd.s32 $0xFFFFFF80  }
0x100: {  	_ =	swait.ge [sflag:s9], $0x80  }
0x101: {  	[sflag:s9] =	ssyncset.done $0x0  }
0x102: {  	[sflag:s9] =	ssyncadd.s32 $0xFFFFFF80  }
0x103: {  	_ =	swait.ge [sflag:s9], $0x80  }
0x104: {  	[sflag:s9] =	ssyncset.done $0x0  }
0x105: {  	[sflag:s9] =	ssyncadd.s32 $0xFFFFFF80  }
0x106: {  	_ =	swait.ge [sflag:s9], $0x80  }
0x107: {  	[sflag:s9] =	ssyncset.done $0x0  }
0x108: {  	[sflag:s9] =	ssyncadd.s32 $0xFFFFFF80  }
0x109: {  	_ =	swait.ge [sflag:s9], $0x80  }
0x10a: {  	[sflag:s9] =	ssyncset.done $0x0  }
0x10b: {  	[sflag:s9] =	ssyncadd.s32 $0xFFFFFF80  }
0x10c: {  	_ =	swait.ge [sflag:s9], $0x80  }
0x10d: {  	[sflag:s9] =	ssyncset.done $0x0  }
0x10e: {  	[sflag:s9] =	ssyncadd.s32 $0xFFFFFF80  }
0x10f: {  	_ =	swait.ge [sflag:s9], $0x80  }
0x110: {  	[sflag:s9] =	ssyncset.done $0x0  }
0x111: {  	[sflag:s9] =	ssyncadd.s32 $0xFFFFFF80  }
0x112: {  	_ =	swait.ge [sflag:s9], $0x80  }
0x113: {  	[sflag:s9] =	ssyncset.done $0x0  }
0x114: {  	[sflag:s9] =	ssyncadd.s32 $0xFFFFFF80  }
0x115: {  	_ =	swait.ge [sflag:s9], $0x80  }
0x116: {  	[sflag:s9] =	ssyncset.done $0x0  }
0x117: {  	[sflag:s9] =	ssyncadd.s32 $0xFFFFFF80  }
0x118: {  	_ =	swait.ge [sflag:s9], $0x80  }
0x119: {  	[sflag:s9] =	ssyncset.done $0x0  }
0x11a: {  	[sflag:s9] =	ssyncadd.s32 $0xFFFFFF80  }
0x11b: {  	_ =	swait.ge [sflag:s9], $0x80  }
0x11c: {  	s17 =	simm.s32 $0x7;
	s16 =	sadd.s32 $0x1, s31;
	[sflag:s9] =	ssyncset.done $0x0  }
.LBB2_5:
0x11d: {  	p1 =	sne.s32 s17, $0x1;
	s17 =	sadd.s32 $0xFFFFFFFF, s17;
	[sflag:s9] =	ssyncadd.s32 $0xFFFFFF80  }
0x11e: {  	_ =	swait.ge [sflag:s9], $0x80  }
0x11f: {  	[sflag:s9] =	ssyncset.done $0x0  }
0x120: {  	[sflag:s9] =	ssyncadd.s32 $0xFFFFFF80  }
0x121: {  	_ =	swait.ge [sflag:s9], $0x80  }
0x122: {  	[sflag:s9] =	ssyncset.done $0x0  }
0x123: {  	[sflag:s9] =	ssyncadd.s32 $0xFFFFFF80  }
0x124: {  	_ =	swait.ge [sflag:s9], $0x80  }
0x125: {  	[sflag:s9] =	ssyncset.done $0x0  }
0x126: {  	[sflag:s9] =	ssyncadd.s32 $0xFFFFFF80  }
0x127: {  	_ =	swait.ge [sflag:s9], $0x80  }
0x128: {  	[sflag:s9] =	ssyncset.done $0x0  }
0x129: {  	[sflag:s9] =	ssyncadd.s32 $0xFFFFFF80  }
0x12a: {  	_ =	swait.ge [sflag:s9], $0x80  }
0x12b: {  	[sflag:s9] =	ssyncset.done $0x0  }
0x12c: {  	[sflag:s9] =	ssyncadd.s32 $0xFFFFFF80  }
0x12d: {  	_ =	swait.ge [sflag:s9], $0x80  }
0x12e: {  	[sflag:s9] =	ssyncset.done $0x0  }
0x12f: {  	[sflag:s9] =	ssyncadd.s32 $0xFFFFFF80  }
0x130: {  	_ =	swait.ge [sflag:s9], $0x80  }
0x131: {  	[sflag:s9] =	ssyncset.done $0x0  }
0x132: {  	[sflag:s9] =	ssyncadd.s32 $0xFFFFFF80  }
0x133: {  	_ =	swait.ge [sflag:s9], $0x80  }
0x134: {  	[sflag:s9] =	ssyncset.done $0x0  }
0x135: {  	[sflag:s9] =	ssyncadd.s32 $0xFFFFFF80  }
0x136: {  	_ =	swait.ge [sflag:s9], $0x80  }
0x137: {  	[sflag:s9] =	ssyncset.done $0x0  }
0x138: {  	[sflag:s9] =	ssyncadd.s32 $0xFFFFFF80  }
0x139: {  	_ =	swait.ge [sflag:s9], $0x80  }
0x13a: {  	[sflag:s9] =	ssyncset.done $0x0  }
0x13b: {  	[sflag:s9] =	ssyncadd.s32 $0xFFFFFF80  }
0x13c: {  	_ =	swait.ge [sflag:s9], $0x80  }
0x13d: {  	[sflag:s9] =	ssyncset.done $0x0  }
0x13e: {  	[sflag:s9] =	ssyncadd.s32 $0xFFFFFF80  }
0x13f: {  	_ =	swait.ge [sflag:s9], $0x80  }
0x140: {  	[sflag:s9] =	ssyncset.done $0x0  }
0x141: {  	[sflag:s9] =	ssyncadd.s32 $0xFFFFFF80  }
0x142: {  	_ =	swait.ge [sflag:s9], $0x80  }
0x143: {  	[sflag:s9] =	ssyncset.done $0x0  }
0x144: {  	[sflag:s9] =	ssyncadd.s32 $0xFFFFFF80  }
0x145: {  	_ =	swait.ge [sflag:s9], $0x80  }
0x146: {  	[sflag:s9] =	ssyncset.done $0x0  }
0x147: {  	[sflag:s9] =	ssyncadd.s32 $0xFFFFFF80  }
0x148: {  	_ =	swait.ge [sflag:s9], $0x80  }
0x149: {  	[sflag:s9] =	ssyncset.done $0x0  }
0x14a: {  	[sflag:s9] =	ssyncadd.s32 $0xFFFFFF80  }
0x14b: {  	_ =	swait.ge [sflag:s9], $0x80  }
0x14c: {  	[sflag:s9] =	ssyncset.done $0x0  }
0x14d: {  	[sflag:s9] =	ssyncadd.s32 $0xFFFFFF80  }
0x14e: {  	_ =	swait.ge [sflag:s9], $0x80  }
0x14f: {  	[sflag:s9] =	ssyncset.done $0x0  }
0x150: {  	[sflag:s9] =	ssyncadd.s32 $0xFFFFFF80  }
0x151: {  	_ =	swait.ge [sflag:s9], $0x80  }
0x152: {  	[sflag:s9] =	ssyncset.done $0x0  }
0x153: {  	[sflag:s9] =	ssyncadd.s32 $0xFFFFFF80  }
0x154: {  	_ =	swait.ge [sflag:s9], $0x80  }
0x155: {  	[sflag:s9] =	ssyncset.done $0x0  }
0x156: {  	[sflag:s9] =	ssyncadd.s32 $0xFFFFFF80  }
0x157: {  	_ =	swait.ge [sflag:s9], $0x80  }
0x158: {  	[sflag:s9] =	ssyncset.done $0x0  }
0x159: {  	[sflag:s9] =	ssyncadd.s32 $0xFFFFFF80  }
0x15a: {  	_ =	swait.ge [sflag:s9], $0x80  }
0x15b: {  	[sflag:s9] =	ssyncset.done $0x0  }
0x15c: {  	[sflag:s9] =	ssyncadd.s32 $0xFFFFFF80  }
0x15d: {  	_ =	swait.ge [sflag:s9], $0x80  }
0x15e: {  	[sflag:s9] =	ssyncset.done $0x0  }
0x15f: {  	[sflag:s9] =	ssyncadd.s32 $0xFFFFFF80  }
0x160: {  	_ =	swait.ge [sflag:s9], $0x80  }
0x161: {  	[sflag:s9] =	ssyncset.done $0x0  }
0x162: {  	[sflag:s9] =	ssyncadd.s32 $0xFFFFFF80  }
0x163: {  	_ =	swait.ge [sflag:s9], $0x80  }
0x164: {  	[sflag:s9] =	ssyncset.done $0x0  }
0x165: {  	[sflag:s9] =	ssyncadd.s32 $0xFFFFFF80  }
.Ltmp1:
0x166: {  	_ =	swait.ge [sflag:s9], $0x80;
	(pc) =	sbr.rel @p1 .LBB2_5-.Ltmp1, $4  }
0x167: {  	[sflag:s9] =	ssyncset.done $0x0  }
0x168: {  	[sflag:s9] =	ssyncadd.s32 $0xFFFFFF80  }
0x169: {  	_ =	swait.ge [sflag:s9], $0x80  }
0x16a: {  	[sflag:s9] =	ssyncset.done $0x0  }
0x16b: {  	s1 =	rddreg [dreg:$0xb]  }
0x16c: {  	s0 =	sshll.u32 s5, $0x9;
	s15 =	rddreg [dreg:$0x12]  }
0x16d: {  	[sflag:s9] =	ssyncadd.s32 $0xFFFFFF80;
	s17 =	rddreg [dreg:$0x10];
	s0 =	sadd.s32 s1, s0  }
0x16e: {  	[hbm4b:s0+s2] =	stream.linear.scatter [tilespmem:s15], [sflag:$0x3], $0xD00, $0x38;
	[tilespmem:$0x10800] =	vst v63  }
0x16f: {  	s18 =	sadd.s32 $0x1800, s17;
	s3 =	sadd.s32 $0x200, s0  }
0x170: {  	[hbm4b:s3+s2] =	stream.linear.scatter [tilespmem:s18], [sflag:$0x3], $0xD00, $0x38;
	[tilespmem:$0x10800] =	vst v63  }
0x171: {  	s19 =	sadd.s32 $0x2800, s17;
	s20 =	sadd.s32 $0x400, s0  }
0x172: {  	[hbm4b:s20+s2] =	stream.linear.scatter [tilespmem:s19], [sflag:$0x3], $0xD00, $0x38;
	[tilespmem:$0x10800] =	vst v63  }
0x173: {  	s21 =	sadd.s32 $0x3800, s17;
	s22 =	sadd.s32 $0x600, s0  }
0x174: {  	[hbm4b:s22+s2] =	stream.linear.scatter [tilespmem:s21], [sflag:$0x3], $0xD00, $0x38;
	[tilespmem:$0x10800] =	vst v63  }
0x175: {  	s23 =	sadd.s32 $0x4800, s17;
	s24 =	sadd.s32 $0x800, s0  }
0x176: {  	[hbm4b:s24+s2] =	stream.linear.scatter [tilespmem:s23], [sflag:$0x3], $0xD00, $0x38;
	[tilespmem:$0x10800] =	vst v63  }
0x177: {  	p1 =	sne.s32 s16, $0x40;
	s25 =	sadd.s32 $0x5800, s17;
	s26 =	sadd.s32 $0xA00, s0  }
0x178: {  	[hbm4b:s26+s2] =	stream.linear.scatter [tilespmem:s25], [sflag:$0x3], $0xD00, $0x38;
	[tilespmem:$0x10800] =	vst v63  }
.Ltmp2:
0x179: {  	_ = 	snop;
	(pc) =	sbr.rel @p1 .LBB2_2-.Ltmp2, $4  }
0x17a: {  	s28 =	sadd.s32 $0x6800, s17;
	s29 =	sadd.s32 $0xC00, s0  }
0x17b: {  	[hbm4b:s29+s2] =	stream.linear.scatter [tilespmem:s28], [sflag:$0x3], $0xD00, $0x38;
	[tilespmem:$0x10800] =	vst v63  }
0x17c: {  	p0 =	por !p0, !p0;
	s31 =	sadd.s32 $0x7800, s17;
	s0 =	sadd.s32 $0xE00, s0  }
0x17d: {  	[hbm4b:s0+s2] =	stream.linear.scatter [tilespmem:s31], [sflag:$0x3], $0xD00, $0x38;
	[tilespmem:$0x10800] =	vst v63  }
0x17e: {  	s1 =	simm.s32 $0x3  }
0x17f: {  	_ =	swait.ge [sflag:s1], $0x6800  }
0x180: {  	[sflag:s1] =	ssyncset.done $0x0  }
0x181: {  	[sflag:s1] =	ssyncadd.s32 $0xFFFF9800  }
0x182: {  	_ =	swait.ge [sflag:s1], $0x6800  }
0x183: {  	s3 =	rddreg [dreg:$0xf]  }
0x184: {  	s0 =	rddreg [dreg:$0xe];
	s3 =	sadd.s32 $0x1, s3  }
0x185: {  	p0 =	sne.s32 s3, s0  }
.Ltmp3:
0x186: {  	_ = 	snop;
	(pc) =	sbr.rel @p0 .LBB2_1-.Ltmp3, $3  }
0x187: {  	_ =	sdelay $0x1  }
0x188: {  	[sflag:s1] =	ssyncset.done $0x0  }
0x189: {  	[sflag:s1] =	ssyncadd.s32 $0xFFFF9800  }
0x18a: {  	_ =	sfence.sel $0x180000  }
0x18b: {  	[bflag:$0x0] =	sbarrier.arrive $0xFFFF  }
0x18c: {  	_ =	strace $0x90000047  }
0x18d: {  	s0 =	stileid.u32;
	[bflag:$0x2] =	sbarrier.arrive $0xFFFF  }
0x18e: {  	p0 =	sne.s32 s0, $0x0;
	s0 =	rddreg [dreg:$0x2]  }
0x18f: {  	s0 =	sadd.s32 @!p0 $0x100000, s0  }
0x190: {  	[sflag:s0] =	ssyncadd.tile.s32 @!p0 $0x1;
	_ =	shalt  }
.Lfunc_end2:
_tile_overlayer_lowered:
.L_overlay_start_2:
0x191: {  	(tag) =	ssettag $0x2  }
0x192: {  	s0 =	rddreg [dreg:$0x0];
	s2 =	stileid.u32  }
0x193: {  	s1 =	rddreg [dreg:$0x1];
	p0 =	sne.s32 s2, $0x0  }
0x194: {  	s3 =	rddreg [dreg:$0x2];
	[bflag:$0x3] =	sbarrier.arrive $0xFFFF;
	s2 =	simm.s32 @!p0 $0x1C04  }
0x195: {  	[timem:s3], [sflag:s2] =	dma.local @!p0 [hbm:s0], s1  }
0x196: {  	s0 =	simm.s32 @!p0 $0x4  }
0x197: {  	_ =	swait.ge @!p0 [sflag:s0], s1  }
0x198: {  	s1 =	ssub.s32 @!p0 $0x0, s1;
	[sflag:s0] =	ssyncset.done @!p0 $0x0  }
0x199: {  	[sflag:s0] =	ssyncadd.s32 @!p0 s1  }
0x19a: {  	[bflag:$0x3] =	sbarrier.arrive $0xFFFF  }
0x19b: {  	_ =	shalt  }

</sc_bundles>
